<compile_context>
chip_gen: v7x
topology: tpu7x:2x2x1
jax: 0.10.2.dev20260603
libtpu: 0.0.44.dev20260713+nightly
codegen_flags: <defaults>
</compile_context>

<pallas_src>
import dataclasses
import math
import jax
import jax.numpy as jnp
from jax import lax
from jax.experimental import pallas as pl
from jax.experimental.pallas import tpu as pltpu
from jax.experimental.pallas import tpu_sc as plsc

_K_KDE = 15
_K_RIPS = 15
_SCALE = 2.0
_DESTNUM = 5
_N = 4096
_L = 16


def _pair_d2(x):
    sq = jnp.sum(x * x, axis=1)
    d2 = sq[:, None] + sq[None, :] - 2.0 * (x @ x.T)
    return jnp.maximum(d2, 0.0)


def _knn(x, k):
    d2 = _pair_d2(x)
    neg_vals, idxs = jax.lax.top_k(-d2, k + 1)
    return -neg_vals[:, 1:], idxs[:, 1:]


_BLK = 256


def _knn16_tc(x):
    n, d = x.shape
    sq2 = jnp.sum(x * x, axis=1)[None, :]

    def body(xb_ref, sqb_ref, xall_ref, sq_ref, vals_ref, idxs_ref):
        xall = xall_ref[...]
        xb = xb_ref[...]
        sq = sq_ref[0, :]
        sqb = sqb_ref[0, :]
        dot = jax.lax.dot_general(
            xb, xall, (((1,), (1,)), ((), ())),
            preferred_element_type=jnp.float32)
        d2 = sqb[:, None] + sq[None, :] - 2.0 * dot
        work = jnp.maximum(d2, 0.0)
        iota = jax.lax.broadcasted_iota(jnp.int32, (_BLK, n), 1)
        vals, idxs = [], []
        for _ in range(16):
            m = jnp.min(work, axis=1, keepdims=True)
            hit = work == m
            ix = jnp.min(jnp.where(hit, iota, n), axis=1, keepdims=True)
            vals.append(m)
            idxs.append(ix)
            work = jnp.where(iota == ix, jnp.inf, work)
        vals_ref[...] = jnp.concatenate(vals, axis=1)
        idxs_ref[...] = jnp.concatenate(idxs, axis=1)

    vals, idxs = pl.pallas_call(
        body,
        grid=(n // _BLK,),
        in_specs=[
            pl.BlockSpec((_BLK, d), lambda i: (i, 0)),
            pl.BlockSpec((1, _BLK), lambda i: (0, i)),
            pl.BlockSpec((n, d), lambda i: (0, 0)),
            pl.BlockSpec((1, n), lambda i: (0, 0)),
        ],
        out_specs=[
            pl.BlockSpec((_BLK, 16), lambda i: (i, 0)),
            pl.BlockSpec((_BLK, 16), lambda i: (i, 0)),
        ],
        out_shape=[
            jax.ShapeDtypeStruct((n, 16), jnp.float32),
            jax.ShapeDtypeStruct((n, 16), jnp.int32),
        ],
    )(x, sq2, x, sq2)
    return vals, idxs


def _cluster_sc(dens_sorted, rips_padded):
    n = dens_sorted.shape[0]
    mesh = plsc.VectorSubcoreMesh(core_axis_name="c", subcore_axis_name="s")
    cp = pltpu.CompilerParams()
    if "needs_layout_passes" in pltpu.CompilerParams.__dataclass_fields__:
        cp = dataclasses.replace(cp, needs_layout_passes=False)

    @pl.kernel(
        compiler_params=cp,
        out_type=jax.ShapeDtypeStruct((_L,), jnp.float32),
        mesh=mesh,
        scratch_types=[
            pltpu.VMEM((n,), jnp.float32),
            pltpu.VMEM((n * _L,), jnp.int32),
            pltpu.VMEM((n,), jnp.int32),
            pltpu.VMEM((n,), jnp.int32),
            pltpu.VMEM((n,), jnp.float32),
            pltpu.VMEM((n,), jnp.int32),
            pltpu.VMEM((_L,), jnp.float32),
        ],
    )
    def k(dens_hbm, rips_hbm, stats_out,
          dens_v, rips_v, root_v, sec_v, pers_v, act_v, out_v):
        ci = lax.axis_index("c")
        si = lax.axis_index("s")

        @pl.when((ci == 0) & (si == 0))
        def _():
            pltpu.sync_copy(dens_hbm, dens_v)
            pltpu.sync_copy(rips_hbm, rips_v)
            lanes = lax.iota(jnp.int32, _L)

            @pl.loop(0, n // _L)
            def _(b):
                base = b * _L
                sl = pl.ds(base, _L)
                root_v[sl] = lanes + base
                sec_v[sl] = jnp.full((_L,), -1, jnp.int32)

            lane15 = lanes == 15

            @pl.loop(0, n)
            def _(t):
                i = (n - 1) - t
                nb = rips_v[pl.ds(i * _L, _L)]
                vm = nb > i
                j0 = jnp.where(vm, nb, i)
                r1 = plsc.load_gather(root_v, [j0])
                r2 = plsc.load_gather(root_v, [r1])
                conv = jnp.all(r2 == r1)

                def fix(r):
                    def cond(c):
                        return c[1]

                    def body(c):
                        j, _ = c
                        p = plsc.load_gather(root_v, [j])
                        return p, jnp.any(p != j)

                    return lax.while_loop(
                        cond, body, (r, jnp.bool_(True)))[0]

                r = lax.cond(conv, lambda rr: rr, fix, r2)
                plsc.store_scatter(root_v, [nb], r, mask=vm)
                dens_r = plsc.load_gather(dens_v, [r])
                dmax = jnp.max(jnp.where(vm, dens_r, -jnp.inf))
                surv = jnp.max(jnp.where(vm & (dens_r == dmax), r, -1))
                pk = jnp.max(
                    jnp.where(vm, (nb << 12) | r, -1))
                ri0 = jnp.where(pk >= 0, pk & 0xFFF, i)
                kill = vm & (r != surv)
                idxs = jnp.where(lane15, i, r)
                vals = jnp.where(lane15, ri0, surv)
                plsc.store_scatter(
                    root_v, [idxs], vals, mask=kill | lane15)
                plsc.store_scatter(
                    sec_v, [r], jnp.full((_L,), i, jnp.int32),
                    mask=kill)

            def sweep(b, carry):
                acc, mcnt = carry
                base = b * _L
                sl = pl.ds(base, _L)
                rv = root_v[sl]
                idv = lanes + base
                isr = rv == idv
                secraw = sec_v[sl]
                pres = jnp.where(isr | (secraw >= 0), 1, 0)
                sec = jnp.where(isr, 0, jnp.maximum(secraw, 0))
                dgat = plsc.load_gather(dens_v, [sec])
                pers = dens_v[sl] - dgat
                pers_v[sl] = pers
                act_v[sl] = pres
                acc = acc + jnp.where(pres > 0, pers, 0.0)
                mcnt = mcnt + pres
                return acc, mcnt

            acc, mcnt = lax.fori_loop(
                0, n // _L, sweep,
                (jnp.zeros((_L,), jnp.float32),
                 jnp.zeros((_L,), jnp.int32)))
            total = jnp.sum(acc)
            m = jnp.sum(mcnt)

            out = jnp.where(lanes == 0, total, 0.0)
            out = out + jnp.where(
                lanes == 11, m.astype(jnp.float32), 0.0)

            def pick(p, out):
                def vpass(b, vmax):
                    sl = pl.ds(b * _L, _L)
                    a = act_v[sl] > 0
                    return jnp.maximum(
                        vmax, jnp.where(a, pers_v[sl], -jnp.inf))

                pmax = jnp.max(lax.fori_loop(
                    0, n // _L, vpass,
                    jnp.full((_L,), -jnp.inf, jnp.float32)))

                def ipass(b, vbest):
                    base = b * _L
                    sl = pl.ds(base, _L)
                    a = (act_v[sl] > 0) & (pers_v[sl] == pmax)
                    return jnp.maximum(
                        vbest, jnp.where(a, lanes + base, -1))

                e = jnp.max(lax.fori_loop(
                    0, n // _L, ipass,
                    jnp.full((_L,), -1, jnp.int32)))
                valid = e >= 0
                e_safe = jnp.maximum(e, 0)
                e_vec = jnp.full((_L,), e_safe, jnp.int32)
                dval = jnp.max(plsc.load_gather(dens_v, [e_vec]))
                plsc.store_scatter(
                    act_v, [e_vec], jnp.zeros((_L,), jnp.int32),
                    mask=(lanes == 0) & valid)
                pval = jnp.where(valid, pmax, 0.0)
                dval = jnp.where(valid, dval, 0.0)
                out = out + jnp.where(lanes == 1 + p, pval, 0.0)
                out = out + jnp.where(lanes == 6 + p, dval, 0.0)
                return out

            out = lax.fori_loop(0, 5, pick, out)
            out_v[...] = out
            pltpu.sync_copy(out_v, stats_out)

    return k(dens_sorted, rips_padded)


def kernel(x):
    n = x.shape[0]
    knn_d2 = _knn16_tc(x)[0][:, 1:]
    dens = jnp.sum(jnp.exp(-knn_d2 / _SCALE), axis=1) / (_K_KDE * _SCALE)
    sorted_idxs = jnp.argsort(dens)
    dens_sorted = dens[sorted_idxs]
    xs = x[sorted_idxs]
    rips_idxs = _knn16_tc(xs)[1][:, 1:]

    iota = jnp.arange(n, dtype=jnp.int32)
    rips_padded = jnp.concatenate(
        [rips_idxs.astype(jnp.int32), iota[:, None]], axis=1).reshape(-1)
    stats = _cluster_sc(dens_sorted, rips_padded)

    total = stats[0]
    pvals = stats[1:6]
    dvals = stats[6:11]
    m = stats[11]
    pidx = jnp.arange(1, 6, dtype=jnp.float32)
    pvalid = pidx <= m
    weakdist = (total - jnp.sum(jnp.where(pvalid, pvals, 0.0))) / math.sqrt(2)
    dest0 = dvals[0]
    dest1 = dvals[0] - pvals[0]
    nrm = jnp.sqrt((dvals - dest0) ** 2 + (dvals - pvals - dest1) ** 2)
    strongdist = jnp.sum(jnp.where(pvalid & (pidx >= 2), nrm, 0.0))
    loss = weakdist + strongdist
    return loss, rips_idxs

# --- scband reference (transcript-rebuilt; emitter-appended) ---
"""Pipeline reference for scband-topo-grad-loss-84121229459994 (READ-ONLY COPY).

The authoritative reference and input builder live on the scoring server;
editing this copy changes nothing except your own understanding.
"""

import math
import jax, jax.numpy as jnp
import numpy as np

K_KDE = 15
K_RIPS = 15
SCALE = 2.0
DESTNUM = 5

def _pairwise_sqdist(x):
    sq = jnp.sum(x * x, axis=1)
    d2 = sq[:, None] + sq[None, :] - 2.0 * (x @ x.T)
    return jnp.maximum(d2, 0.0)

def _knn(x, k):
    d2 = _pairwise_sqdist(x)
    neg_vals, idxs = jax.lax.top_k(-d2, k + 1)
    return -neg_vals[:, 1:], idxs[:, 1:]

def compute_density_map(x, k, scale):
    knn_d2, idxs = _knn(x, k)
    dens = jnp.sum(jnp.exp(-knn_d2 / scale), axis=1) / (k * scale)
    return dens, idxs

def compute_rips(x, k):
    return _knn(x, k)[1]

def _cluster(density, knn_idxs):
    n = density.shape[0]
    k = knn_idxs.shape[1]
    order = jnp.argsort(-density)
    rank = jnp.zeros((n,), dtype=jnp.int32).at[order].set(jnp.arange(n, dtype=jnp.int32))

    def find(root, i):
        return jax.lax.while_loop(lambda j: root[j] != j, lambda j: root[j], i)

    def outer(t, carry):
        root, buf, cnt = carry
        i = order[t]
        nb = knn_idxs[i]
        vm = rank[nb] < rank[i]
        has = jnp.any(vm)
        g = nb[jnp.argmin(jnp.where(vm, rank[nb], n))]
        g_safe = jnp.where(has, g, i)
        ri0 = find(root, g_safe)
        root = root.at[jnp.where(has, i, n)].set(ri0)

        def inner(c, carry2):
            root, buf, cnt, ri = carry2
            j = nb[c]
            v = vm[c]
            rj = find(root, j)
            ri2 = find(root, ri)
            do = v & (rj != ri2)
            swap = density[ri2] < density[rj]
            ri3 = jnp.where(swap, rj, ri2)
            rj3 = jnp.where(swap, ri2, rj)
            buf = buf.at[cnt].set(jnp.where(do, jnp.stack([rj3, i]), buf[cnt]))
            root = root.at[jnp.where(do, rj3, n)].set(ri3)
            cnt = cnt + do.astype(jnp.int32)
            ri = jnp.where(do, ri3, ri2)
            return root, buf, cnt, ri

        root, buf, cnt, _ = jax.lax.fori_loop(0, k, inner, (root, buf, cnt, ri0))
        return root, buf, cnt

    root0 = jnp.arange(n, dtype=jnp.int32)
    buf0 = jnp.zeros((n, 2), dtype=jnp.int32)
    root, buf, cnt = jax.lax.fori_loop(0, n, outer, (root0, buf0, jnp.int32(0)))
    rep = jax.lax.while_loop(lambda r: jnp.any(r[r] != r), lambda r: r[r], root)
    gmin = order[n - 1]
    return buf, cnt, rep, gmin

def _persistence_pairs(x, k_kde, k_rips, scale, destnum):
    dens, kde_idxs = compute_density_map(x, k_kde, scale)
    sorted_idxs = jnp.argsort(dens)
    inv = jnp.argsort(sorted_idxs)
    dens_sorted = dens[sorted_idxs]
    kde_idxs_sorted = inv[kde_idxs[sorted_idxs]]
    xs = x[sorted_idxs]
    rips_idxs = compute_rips(xs, k_rips)
    buf, cnt, rep, gmin = _cluster(dens_sorted, rips_idxs)
    n = dens_sorted.shape[0]
    idxv = jnp.arange(n, dtype=jnp.int32)
    firsts = jnp.concatenate([jnp.where(idxv < cnt, buf[:, 0], n),
                              jnp.where(rep == idxv, idxv, n)])
    seconds = jnp.concatenate([buf[:, 1], jnp.full((n,), gmin, dtype=jnp.int32)])
    segmax = jax.ops.segment_max(seconds, firsts, num_segments=n + 1)[:n]
    counts = jax.ops.segment_sum(jnp.ones_like(seconds), firsts, num_segments=n + 1)[:n]
    present = counts > 0
    second_safe = jnp.where(present, segmax, 0)
    pers = dens_sorted - dens_sorted[second_safe]
    sidx = jnp.argsort(jnp.where(present, pers, jnp.inf))
    m = jnp.sum(present.astype(jnp.int32))
    vb = sidx[m - 1]
    dest = jnp.stack([dens_sorted[vb], dens_sorted[second_safe[vb]]]).astype(jnp.float32)
    pairs_sorted = jnp.stack([sidx, second_safe[sidx]], axis=1)
    changemask = idxv < m - destnum
    nochangemask = (idxv >= m - destnum) & (idxv <= m - 2)
    return (sorted_idxs, kde_idxs, dens_sorted, rips_idxs, pairs_sorted,
            changemask, nochangemask, dest)

def setup_inputs(seed: int = 0):
    key = jax.random.key(seed)
    x = jax.random.uniform(key, (4096, 32), dtype=jnp.float32)
    return {'x': x}

def reference(x):
    (sorted_idxs, kde_idxs, dens_sorted, rips_idxs, pairs_sorted,
     changemask, nochangemask, dest) = _persistence_pairs(x, K_KDE, K_RIPS, SCALE, DESTNUM)
    pd11 = dens_sorted[pairs_sorted]
    diffs = pd11[:, 0] - pd11[:, 1]
    weakdist = jnp.sum(jnp.where(changemask, diffs, 0.0)) / math.sqrt(2)
    norms = jnp.linalg.norm(pd11 - dest[None, :], axis=1)
    strongdist = jnp.sum(jnp.where(nochangemask, norms, 0.0))
    loss = weakdist + strongdist
    return loss, rips_idxs

if __name__ == "__main__":
    import jax
    _d = setup_inputs()
    print(jax.jit(kernel)(*tuple(_d.values())))

</pallas_src>

<mosaic_0001>
#map = affine_map<(d0, d1) -> (0)>
module attributes {stable_mosaic.version = 14 : i64} {
  func.func @k(%arg0: i32, %arg1: i32, %arg2: memref<4096xf32, #tpu.memory_space<hbm>>, %arg3: memref<65536xi32, #tpu.memory_space<hbm>>, %arg4: memref<16xf32, #tpu.memory_space<hbm>>, %arg5: memref<4096xf32, #tpu.memory_space<vmem>>, %arg6: memref<65536xi32, #tpu.memory_space<vmem>>, %arg7: memref<4096xi32, #tpu.memory_space<vmem>>, %arg8: memref<4096xi32, #tpu.memory_space<vmem>>, %arg9: memref<4096xf32, #tpu.memory_space<vmem>>, %arg10: memref<4096xi32, #tpu.memory_space<vmem>>, %arg11: memref<16xf32, #tpu.memory_space<vmem>>) attributes {dimension_semantics = [#tpu.dimension_semantics<core_parallel>, #tpu.dimension_semantics<subcore_parallel>], iteration_bounds = array<i64: 2, 16>, scalar_prefetch = 0 : i64, scratch_operands = 7 : i64, tpu.core_type = #tpu.core_type<sc_vector_subcore>, window_params = [{transform_indices = #map}, {transform_indices = #map}, {transform_indices = #map}]} {
    %eq3A = arith.constant 0 : i32
    %eq3A_0 = arith.cmpi eq, %arg0, %eq3A : i32
    %eq3A_1 = arith.constant 0 : i32
    %eq3A_2 = arith.cmpi eq, %arg1, %eq3A_1 : i32
    %and3A = arith.andi %eq3A_0, %eq3A_2 : i1
    %convert_element_type3A = arith.extui %and3A : i1 to i32
    %cond3A = arith.constant 0 : i32
    %cond3A_3 = arith.cmpi ne, %convert_element_type3A, %cond3A : i32
    scf.if %cond3A_3 {
      "tpu.region"() ({
        %run_scoped3A = tpu.sem_alloc : memref<!tpu.dma_semaphore, #tpu.memory_space<semaphore_mem>>
        tpu.enqueue_dma source(%arg2 : memref<4096xf32, #tpu.memory_space<hbm>>) target(%arg5 : memref<4096xf32, #tpu.memory_space<vmem>>) target_semaphore(%run_scoped3A : memref<!tpu.dma_semaphore, #tpu.memory_space<semaphore_mem>>)
        tpu.wait_dma2 semaphore(%run_scoped3A : memref<!tpu.dma_semaphore, #tpu.memory_space<semaphore_mem>>) src(%arg2 : memref<4096xf32, #tpu.memory_space<hbm>>) dst(%arg5 : memref<4096xf32, #tpu.memory_space<vmem>>)
        tpu.yield
      }) : () -> ()
      "tpu.region"() ({
        %run_scoped3A = tpu.sem_alloc : memref<!tpu.dma_semaphore, #tpu.memory_space<semaphore_mem>>
        tpu.enqueue_dma source(%arg3 : memref<65536xi32, #tpu.memory_space<hbm>>) target(%arg6 : memref<65536xi32, #tpu.memory_space<vmem>>) target_semaphore(%run_scoped3A : memref<!tpu.dma_semaphore, #tpu.memory_space<semaphore_mem>>)
        tpu.wait_dma2 semaphore(%run_scoped3A : memref<!tpu.dma_semaphore, #tpu.memory_space<semaphore_mem>>) src(%arg3 : memref<65536xi32, #tpu.memory_space<hbm>>) dst(%arg6 : memref<65536xi32, #tpu.memory_space<vmem>>)
        tpu.yield
      }) : () -> ()
      %iota3A = tpu.iota {dimensions = array<i32: 0>} : vector<16xi32>
      %scan3A = arith.constant 0 : i32
      %scan3A_4 = arith.constant 256 : i32
      %scan3A_5 = arith.addi %scan3A, %scan3A_4 : i32
      %scan3A_6 = arith.constant 1 : i32
      scf.for %scan3A_52 = %scan3A to %scan3A_5 step %scan3A_6  : i32 {
        %mul3A = arith.constant 1 : i32
        %mul3A_53 = arith.muli %scan3A_52, %mul3A : i32
        %add3A_54 = arith.constant 0 : i32
        %add3A_55 = arith.addi %add3A_54, %mul3A_53 : i32
        %mul3A_56 = arith.constant 16 : i32
        %mul3A_57 = arith.muli %add3A_55, %mul3A_56 : i32
        %add3A_58 = vector.broadcast %mul3A_57 : i32 to vector<16xi32>
        %add3A_59 = arith.addi %iota3A, %add3A_58 : vector<16xi32>
        %swap3A_60 = arith.index_cast %mul3A_57 : i32 to index
        %swap3A_61 = tpu.vector_load %arg7[%swap3A_60] {strides = array<i32>} : memref<4096xi32, #tpu.memory_space<vmem>>, vector<16xi32>,
        tpu.vector_store %arg7[%swap3A_60], %add3A_59 {strides = array<i32>} : memref<4096xi32, #tpu.memory_space<vmem>>, vector<16xi32>,
        %broadcast_in_dim3A_62 = arith.constant -1 : i32
        %broadcast_in_dim3A_63 = vector.broadcast %broadcast_in_dim3A_62 : i32 to vector<16xi32>
        %swap3A_64 = arith.index_cast %mul3A_57 : i32 to index
        %swap3A_65 = tpu.vector_load %arg8[%swap3A_64] {strides = array<i32>} : memref<4096xi32, #tpu.memory_space<vmem>>, vector<16xi32>,
        tpu.vector_store %arg8[%swap3A_64], %broadcast_in_dim3A_63 {strides = array<i32>} : memref<4096xi32, #tpu.memory_space<vmem>>, vector<16xi32>,
      }
      %scan3A_7 = arith.constant 256 : i32
      %eq3A_8 = arith.constant 15 : i32
      %eq3A_9 = vector.broadcast %eq3A_8 : i32 to vector<16xi32>
      %eq3A_10 = arith.cmpi eq, %iota3A, %eq3A_9 : vector<16xi32>
      %scan3A_11 = arith.constant 0 : i32
      %scan3A_12 = arith.constant 4096 : i32
      %scan3A_13 = arith.addi %scan3A_11, %scan3A_12 : i32
      %scan3A_14 = arith.constant 1 : i32
      scf.for %scan3A_52 = %scan3A_11 to %scan3A_13 step %scan3A_14  : i32 {
        %mul3A = arith.constant 1 : i32
        %mul3A_53 = arith.muli %scan3A_52, %mul3A : i32
        %add3A_54 = arith.constant 0 : i32
        %add3A_55 = arith.addi %add3A_54, %mul3A_53 : i32
        %sub3A = arith.constant 4095 : i32
        %sub3A_56 = arith.subi %sub3A, %add3A_55 : i32
        %mul3A_57 = arith.constant 16 : i32
        %mul3A_58 = arith.muli %sub3A_56, %mul3A_57 : i32
        %get3A = arith.index_cast %mul3A_58 : i32 to index
        %get3A_59 = tpu.vector_load %arg6[%get3A] {strides = array<i32>} : memref<65536xi32, #tpu.memory_space<vmem>>, vector<16xi32>,
        %gt3A = vector.broadcast %sub3A_56 : i32 to vector<16xi32>
        %gt3A_60 = arith.cmpi sgt, %get3A_59, %gt3A : vector<16xi32>
        %broadcast_in_dim3A_61 = vector.broadcast %sub3A_56 : i32 to vector<16xi32>
        %select_n3A_62 = arith.select %gt3A_60, %get3A_59, %broadcast_in_dim3A_61 : vector<16xi1>, vector<16xi32>
        %gather3A = tpu.vector_load_idx %arg7[%select_n3A_62] : memref<4096xi32, #tpu.memory_space<vmem>>[vector<16xi32>], vector<16xi32>,
        %gather3A_63 = tpu.vector_load_idx %arg7[%gather3A] : memref<4096xi32, #tpu.memory_space<vmem>>[vector<16xi32>], vector<16xi32>,
        %eq3A_64 = arith.cmpi eq, %gather3A_63, %gather3A : vector<16xi32>
        %reduce_and3A = arith.constant 1.000000e+00 : f32
        %reduce_and3A_65 = arith.constant 0.000000e+00 : f32
        %reduce_and3A_66 = vector.broadcast %reduce_and3A : f32 to vector<16xf32>
        %reduce_and3A_67 = vector.broadcast %reduce_and3A_65 : f32 to vector<16xf32>
        %reduce_and3A_68 = arith.select %eq3A_64, %reduce_and3A_66, %reduce_and3A_67 : vector<16xi1>, vector<16xf32>
        %reduce_and3A_69 = arith.constant true
        %reduce_and3A_70 = vector.broadcast %reduce_and3A_69 : i1 to vector<16xi1>
        %reduce_and3A_71 = tpu.scan <min>, %reduce_and3A_68 masked %reduce_and3A_70 : vector<16xf32>, vector<16xi1> -> vector<16xf32>
        %reduce_and3A_72 = vector.extract %reduce_and3A_71[15] : f32 from vector<16xf32>
        %reduce_and3A_73 = arith.constant 0.000000e+00 : f32
        %reduce_and3A_74 = arith.cmpf ogt, %reduce_and3A_72, %reduce_and3A_73 : f32
        %convert_element_type3A_75 = arith.extui %reduce_and3A_74 : i1 to i32
        %cond3A_76 = arith.constant 0 : i32
        %cond3A_77 = arith.cmpi ne, %convert_element_type3A_75, %cond3A_76 : i32
        %cond3A_78 = scf.if %cond3A_77 -> (vector<16xi32>) {
          scf.yield %gather3A_63 : vector<16xi32>
        } else {
          %while3A = arith.constant true
          %while3A_126:2 = scf.while (%while3A_127 = %gather3A_63, %while3A_128 = %while3A) : (vector<16xi32>, i1) -> (vector<16xi32>, i1) {
            scf.condition(%while3A_128) %while3A_127, %while3A_128 : vector<16xi32>, i1
          } do {
          ^bb0(%while3A_127: vector<16xi32>, %while3A_128: i1):
            %gather3A_129 = tpu.vector_load_idx %arg7[%while3A_127] : memref<4096xi32, #tpu.memory_space<vmem>>[vector<16xi32>], vector<16xi32>,
            %ne3A_130 = arith.cmpi ne, %gather3A_129, %while3A_127 : vector<16xi32>
            %reduce_or3A = arith.constant 1.000000e+00 : f32
            %reduce_or3A_131 = arith.constant 0.000000e+00 : f32
            %reduce_or3A_132 = vector.broadcast %reduce_or3A : f32 to vector<16xf32>
            %reduce_or3A_133 = vector.broadcast %reduce_or3A_131 : f32 to vector<16xf32>
            %reduce_or3A_134 = arith.select %ne3A_130, %reduce_or3A_132, %reduce_or3A_133 : vector<16xi1>, vector<16xf32>
            %reduce_or3A_135 = arith.constant true
            %reduce_or3A_136 = vector.broadcast %reduce_or3A_135 : i1 to vector<16xi1>
            %reduce_or3A_137 = tpu.scan <max>, %reduce_or3A_134 masked %reduce_or3A_136 : vector<16xf32>, vector<16xi1> -> vector<16xf32>
            %reduce_or3A_138 = vector.extract %reduce_or3A_137[15] : f32 from vector<16xf32>
            %reduce_or3A_139 = arith.constant 0.000000e+00 : f32
            %reduce_or3A_140 = arith.cmpf ogt, %reduce_or3A_138, %reduce_or3A_139 : f32
            scf.yield %gather3A_129, %reduce_or3A_140 : vector<16xi32>, i1
          }
          scf.yield %while3A_126#0 : vector<16xi32>
        }
        tpu.vector_store_idx %arg7[%get3A_59], %cond3A_78 masked %gt3A_60 : memref<4096xi32, #tpu.memory_space<vmem>>[vector<16xi32>], vector<16xi32>, vector<16xi1>
        %gather3A_79 = tpu.vector_load_idx %arg5[%cond3A_78] : memref<4096xf32, #tpu.memory_space<vmem>>[vector<16xi32>], vector<16xf32>,
        %jit3A_80 = arith.constant 0xFF800000 : f32
        %broadcast_in_dim3A_81 = vector.broadcast %jit3A_80 : f32 to vector<16xf32>
        %select_n3A_82 = arith.select %gt3A_60, %gather3A_79, %broadcast_in_dim3A_81 : vector<16xi1>, vector<16xf32>
        %reduce_max3A = arith.constant true
        %reduce_max3A_83 = vector.broadcast %reduce_max3A : i1 to vector<16xi1>
        %reduce_max3A_84 = tpu.scan <max>, %select_n3A_82 masked %reduce_max3A_83 : vector<16xf32>, vector<16xi1> -> vector<16xf32>
        %reduce_max3A_85 = vector.extract %reduce_max3A_84[15] : f32 from vector<16xf32>
        %eq3A_86 = vector.broadcast %reduce_max3A_85 : f32 to vector<16xf32>
        %eq3A_87 = arith.cmpf oeq, %gather3A_79, %eq3A_86 : vector<16xf32>
        %and3A_88 = arith.andi %gt3A_60, %eq3A_87 : vector<16xi1>
        %jit3A_89 = arith.constant -1 : i32
        %broadcast_in_dim3A_90 = vector.broadcast %jit3A_89 : i32 to vector<16xi32>
        %select_n3A_91 = arith.select %and3A_88, %cond3A_78, %broadcast_in_dim3A_90 : vector<16xi1>, vector<16xi32>
        %reduce_max3A_92 = arith.constant true
        %reduce_max3A_93 = vector.broadcast %reduce_max3A_92 : i1 to vector<16xi1>
        %reduce_max3A_94 = arith.constant -2147483648 : i32
        %reduce_max3A_95 = vector.broadcast %reduce_max3A_94 : i32 to vector<16xi32>
        %reduce_max3A_96 = arith.xori %select_n3A_91, %reduce_max3A_95 : vector<16xi32>
        %reduce_max3A_97 = tpu.scan <max>, %reduce_max3A_96 masked %reduce_max3A_93 : vector<16xi32>, vector<16xi1> -> vector<16xi32>
        %reduce_max3A_98 = arith.xori %reduce_max3A_97, %reduce_max3A_95 : vector<16xi32>
        %reduce_max3A_99 = vector.extract %reduce_max3A_98[15] : i32 from vector<16xi32>
        %shift_left3A = arith.constant 12 : i32
        %shift_left3A_100 = vector.broadcast %shift_left3A : i32 to vector<16xi32>
        %shift_left3A_101 = arith.shli %get3A_59, %shift_left3A_100 : vector<16xi32>
        %or3A = arith.ori %shift_left3A_101, %cond3A_78 : vector<16xi32>
        %jit3A_102 = arith.constant -1 : i32
        %broadcast_in_dim3A_103 = vector.broadcast %jit3A_102 : i32 to vector<16xi32>
        %select_n3A_104 = arith.select %gt3A_60, %or3A, %broadcast_in_dim3A_103 : vector<16xi1>, vector<16xi32>
        %reduce_max3A_105 = arith.constant true
        %reduce_max3A_106 = vector.broadcast %reduce_max3A_105 : i1 to vector<16xi1>
        %reduce_max3A_107 = arith.constant -2147483648 : i32
        %reduce_max3A_108 = vector.broadcast %reduce_max3A_107 : i32 to vector<16xi32>
        %reduce_max3A_109 = arith.xori %select_n3A_104, %reduce_max3A_108 : vector<16xi32>
        %reduce_max3A_110 = tpu.scan <max>, %reduce_max3A_109 masked %reduce_max3A_106 : vector<16xi32>, vector<16xi1> -> vector<16xi32>
        %reduce_max3A_111 = arith.xori %reduce_max3A_110, %reduce_max3A_108 : vector<16xi32>
        %reduce_max3A_112 = vector.extract %reduce_max3A_111[15] : i32 from vector<16xi32>
        %ge3A = arith.constant 0 : i32
        %ge3A_113 = arith.cmpi sge, %reduce_max3A_112, %ge3A : i32
        %and3A_114 = arith.constant 4095 : i32
        %and3A_115 = arith.andi %reduce_max3A_112, %and3A_114 : i32
        %select_n3A_116 = arith.select %ge3A_113, %and3A_115, %sub3A_56 : i32
        %ne3A = vector.broadcast %reduce_max3A_99 : i32 to vector<16xi32>
        %ne3A_117 = arith.cmpi ne, %cond3A_78, %ne3A : vector<16xi32>
        %and3A_118 = arith.andi %gt3A_60, %ne3A_117 : vector<16xi1>
        %broadcast_in_dim3A_119 = vector.broadcast %sub3A_56 : i32 to vector<16xi32>
        %select_n3A_120 = arith.select %eq3A_10, %broadcast_in_dim3A_119, %cond3A_78 : vector<16xi1>, vector<16xi32>
        %broadcast_in_dim3A_121 = vector.broadcast %select_n3A_116 : i32 to vector<16xi32>
        %broadcast_in_dim3A_122 = vector.broadcast %reduce_max3A_99 : i32 to vector<16xi32>
        %select_n3A_123 = arith.select %eq3A_10, %broadcast_in_dim3A_121, %broadcast_in_dim3A_122 : vector<16xi1>, vector<16xi32>
        %or3A_124 = arith.ori %and3A_118, %eq3A_10 : vector<16xi1>
        tpu.vector_store_idx %arg7[%select_n3A_120], %select_n3A_123 masked %or3A_124 : memref<4096xi32, #tpu.memory_space<vmem>>[vector<16xi32>], vector<16xi32>, vector<16xi1>
        %broadcast_in_dim3A_125 = vector.broadcast %sub3A_56 : i32 to vector<16xi32>
        tpu.vector_store_idx %arg8[%cond3A_78], %broadcast_in_dim3A_125 masked %and3A_118 : memref<4096xi32, #tpu.memory_space<vmem>>[vector<16xi32>], vector<16xi32>, vector<16xi1>
      }
      %scan3A_15 = arith.constant 4096 : i32
      %broadcast_in_dim3A = arith.constant 0.000000e+00 : f32
      %broadcast_in_dim3A_16 = vector.broadcast %broadcast_in_dim3A : f32 to vector<16xf32>
      %broadcast_in_dim3A_17 = arith.constant 0 : i32
      %broadcast_in_dim3A_18 = vector.broadcast %broadcast_in_dim3A_17 : i32 to vector<16xi32>
      %scan3A_19 = arith.constant 0 : i32
      %scan3A_20 = arith.constant 256 : i32
      %scan3A_21 = arith.addi %scan3A_19, %scan3A_20 : i32
      %scan3A_22 = arith.constant 1 : i32
      %scan3A_23:2 = scf.for %scan3A_52 = %scan3A_19 to %scan3A_21 step %scan3A_22 iter_args(%scan3A_53 = %broadcast_in_dim3A_16, %scan3A_54 = %broadcast_in_dim3A_18) -> (vector<16xf32>, vector<16xi32>)  : i32 {
        %mul3A = arith.constant 16 : i32
        %mul3A_55 = arith.muli %scan3A_52, %mul3A : i32
        %get3A = arith.index_cast %mul3A_55 : i32 to index
        %get3A_56 = tpu.vector_load %arg7[%get3A] {strides = array<i32>} : memref<4096xi32, #tpu.memory_space<vmem>>, vector<16xi32>,
        %add3A_57 = vector.broadcast %mul3A_55 : i32 to vector<16xi32>
        %add3A_58 = arith.addi %iota3A, %add3A_57 : vector<16xi32>
        %eq3A_59 = arith.cmpi eq, %get3A_56, %add3A_58 : vector<16xi32>
        %get3A_60 = arith.index_cast %mul3A_55 : i32 to index
        %get3A_61 = tpu.vector_load %arg8[%get3A_60] {strides = array<i32>} : memref<4096xi32, #tpu.memory_space<vmem>>, vector<16xi32>,
        %ge3A = arith.constant 0 : i32
        %ge3A_62 = vector.broadcast %ge3A : i32 to vector<16xi32>
        %ge3A_63 = arith.cmpi sge, %get3A_61, %ge3A_62 : vector<16xi32>
        %or3A = arith.ori %eq3A_59, %ge3A_63 : vector<16xi1>
        %jit3A_64 = arith.constant 1 : i32
        %jit3A_65 = arith.constant 0 : i32
        %broadcast_in_dim3A_66 = vector.broadcast %jit3A_64 : i32 to vector<16xi32>
        %broadcast_in_dim3A_67 = vector.broadcast %jit3A_65 : i32 to vector<16xi32>
        %select_n3A_68 = arith.select %or3A, %broadcast_in_dim3A_66, %broadcast_in_dim3A_67 : vector<16xi1>, vector<16xi32>
        %max3A = arith.constant 0 : i32
        %max3A_69 = vector.broadcast %max3A : i32 to vector<16xi32>
        %max3A_70 = arith.maxsi %get3A_61, %max3A_69 : vector<16xi32>
        %jit3A_71 = arith.constant 0 : i32
        %broadcast_in_dim3A_72 = vector.broadcast %jit3A_71 : i32 to vector<16xi32>
        %select_n3A_73 = arith.select %eq3A_59, %broadcast_in_dim3A_72, %max3A_70 : vector<16xi1>, vector<16xi32>
        %gather3A = tpu.vector_load_idx %arg5[%select_n3A_73] : memref<4096xf32, #tpu.memory_space<vmem>>[vector<16xi32>], vector<16xf32>,
        %get3A_74 = arith.index_cast %mul3A_55 : i32 to index
        %get3A_75 = tpu.vector_load %arg5[%get3A_74] {strides = array<i32>} : memref<4096xf32, #tpu.memory_space<vmem>>, vector<16xf32>,
        %sub3A = arith.subf %get3A_75, %gather3A : vector<16xf32>
        %swap3A_76 = arith.index_cast %mul3A_55 : i32 to index
        %swap3A_77 = tpu.vector_load %arg9[%swap3A_76] {strides = array<i32>} : memref<4096xf32, #tpu.memory_space<vmem>>, vector<16xf32>,
        tpu.vector_store %arg9[%swap3A_76], %sub3A {strides = array<i32>} : memref<4096xf32, #tpu.memory_space<vmem>>, vector<16xf32>,
        %swap3A_78 = arith.index_cast %mul3A_55 : i32 to index
        %swap3A_79 = tpu.vector_load %arg10[%swap3A_78] {strides = array<i32>} : memref<4096xi32, #tpu.memory_space<vmem>>, vector<16xi32>,
        tpu.vector_store %arg10[%swap3A_78], %select_n3A_68 {strides = array<i32>} : memref<4096xi32, #tpu.memory_space<vmem>>, vector<16xi32>,
        %gt3A = arith.constant 0 : i32
        %gt3A_80 = vector.broadcast %gt3A : i32 to vector<16xi32>
        %gt3A_81 = arith.cmpi sgt, %select_n3A_68, %gt3A_80 : vector<16xi32>
        %jit3A_82 = arith.constant 0.000000e+00 : f32
        %broadcast_in_dim3A_83 = vector.broadcast %jit3A_82 : f32 to vector<16xf32>
        %select_n3A_84 = arith.select %gt3A_81, %sub3A, %broadcast_in_dim3A_83 : vector<16xi1>, vector<16xf32>
        %add3A_85 = arith.addf %scan3A_53, %select_n3A_84 : vector<16xf32>
        %add3A_86 = arith.addi %scan3A_54, %select_n3A_68 : vector<16xi32>
        scf.yield %add3A_85, %add3A_86 : vector<16xf32>, vector<16xi32>
      }
      %scan3A_24 = arith.constant 256 : i32
      %reduce_sum3A = arith.constant true
      %reduce_sum3A_25 = vector.broadcast %reduce_sum3A : i1 to vector<16xi1>
      %reduce_sum3A_26 = tpu.scan <sum>, %scan3A_23#0 masked %reduce_sum3A_25 : vector<16xf32>, vector<16xi1> -> vector<16xf32>
      %reduce_sum3A_27 = vector.extract %reduce_sum3A_26[15] : f32 from vector<16xf32>
      %reduce_sum3A_28 = arith.constant true
      %reduce_sum3A_29 = vector.broadcast %reduce_sum3A_28 : i1 to vector<16xi1>
      %reduce_sum3A_30 = tpu.scan <sum>, %scan3A_23#1 masked %reduce_sum3A_29 : vector<16xi32>, vector<16xi1> -> vector<16xi32>
      %reduce_sum3A_31 = vector.extract %reduce_sum3A_30[15] : i32 from vector<16xi32>
      %eq3A_32 = arith.constant 0 : i32
      %eq3A_33 = vector.broadcast %eq3A_32 : i32 to vector<16xi32>
      %eq3A_34 = arith.cmpi eq, %iota3A, %eq3A_33 : vector<16xi32>
      %jit3A = arith.constant 0.000000e+00 : f32
      %broadcast_in_dim3A_35 = vector.broadcast %reduce_sum3A_27 : f32 to vector<16xf32>
      %broadcast_in_dim3A_36 = vector.broadcast %jit3A : f32 to vector<16xf32>
      %select_n3A = arith.select %eq3A_34, %broadcast_in_dim3A_35, %broadcast_in_dim3A_36 : vector<16xi1>, vector<16xf32>
      %eq3A_37 = arith.constant 11 : i32
      %eq3A_38 = vector.broadcast %eq3A_37 : i32 to vector<16xi32>
      %eq3A_39 = arith.cmpi eq, %iota3A, %eq3A_38 : vector<16xi32>
      %convert_element_type3A_40 = arith.sitofp %reduce_sum3A_31 : i32 to f32
      %jit3A_41 = arith.constant 0.000000e+00 : f32
      %broadcast_in_dim3A_42 = vector.broadcast %convert_element_type3A_40 : f32 to vector<16xf32>
      %broadcast_in_dim3A_43 = vector.broadcast %jit3A_41 : f32 to vector<16xf32>
      %select_n3A_44 = arith.select %eq3A_39, %broadcast_in_dim3A_42, %broadcast_in_dim3A_43 : vector<16xi1>, vector<16xf32>
      %add3A = arith.addf %select_n3A, %select_n3A_44 : vector<16xf32>
      %scan3A_45 = arith.constant 0 : i32
      %scan3A_46 = arith.constant 5 : i32
      %scan3A_47 = arith.addi %scan3A_45, %scan3A_46 : i32
      %scan3A_48 = arith.constant 1 : i32
      %scan3A_49 = scf.for %scan3A_52 = %scan3A_45 to %scan3A_47 step %scan3A_48 iter_args(%scan3A_53 = %add3A) -> (vector<16xf32>)  : i32 {
        %broadcast_in_dim3A_54 = arith.constant 0xFF800000 : f32
        %broadcast_in_dim3A_55 = vector.broadcast %broadcast_in_dim3A_54 : f32 to vector<16xf32>
        %scan3A_56 = arith.constant 0 : i32
        %scan3A_57 = arith.constant 256 : i32
        %scan3A_58 = arith.addi %scan3A_56, %scan3A_57 : i32
        %scan3A_59 = arith.constant 1 : i32
        %scan3A_60 = scf.for %scan3A_117 = %scan3A_56 to %scan3A_58 step %scan3A_59 iter_args(%scan3A_118 = %broadcast_in_dim3A_55) -> (vector<16xf32>)  : i32 {
          %mul3A = arith.constant 16 : i32
          %mul3A_119 = arith.muli %scan3A_117, %mul3A : i32
          %get3A = arith.index_cast %mul3A_119 : i32 to index
          %get3A_120 = tpu.vector_load %arg10[%get3A] {strides = array<i32>} : memref<4096xi32, #tpu.memory_space<vmem>>, vector<16xi32>,
          %gt3A = arith.constant 0 : i32
          %gt3A_121 = vector.broadcast %gt3A : i32 to vector<16xi32>
          %gt3A_122 = arith.cmpi sgt, %get3A_120, %gt3A_121 : vector<16xi32>
          %get3A_123 = arith.index_cast %mul3A_119 : i32 to index
          %get3A_124 = tpu.vector_load %arg9[%get3A_123] {strides = array<i32>} : memref<4096xf32, #tpu.memory_space<vmem>>, vector<16xf32>,
          %jit3A_125 = arith.constant 0xFF800000 : f32
          %broadcast_in_dim3A_126 = vector.broadcast %jit3A_125 : f32 to vector<16xf32>
          %select_n3A_127 = arith.select %gt3A_122, %get3A_124, %broadcast_in_dim3A_126 : vector<16xi1>, vector<16xf32>
          %max3A_128 = arith.maximumf %scan3A_118, %select_n3A_127 : vector<16xf32>
          scf.yield %max3A_128 : vector<16xf32>
        }
        %scan3A_61 = arith.constant 256 : i32
        %reduce_max3A = arith.constant true
        %reduce_max3A_62 = vector.broadcast %reduce_max3A : i1 to vector<16xi1>
        %reduce_max3A_63 = tpu.scan <max>, %scan3A_60 masked %reduce_max3A_62 : vector<16xf32>, vector<16xi1> -> vector<16xf32>
        %reduce_max3A_64 = vector.extract %reduce_max3A_63[15] : f32 from vector<16xf32>
        %broadcast_in_dim3A_65 = arith.constant -1 : i32
        %broadcast_in_dim3A_66 = vector.broadcast %broadcast_in_dim3A_65 : i32 to vector<16xi32>
        %scan3A_67 = arith.constant 0 : i32
        %scan3A_68 = arith.constant 256 : i32
        %scan3A_69 = arith.addi %scan3A_67, %scan3A_68 : i32
        %scan3A_70 = arith.constant 1 : i32
        %scan3A_71 = scf.for %scan3A_117 = %scan3A_67 to %scan3A_69 step %scan3A_70 iter_args(%scan3A_118 = %broadcast_in_dim3A_66) -> (vector<16xi32>)  : i32 {
          %mul3A = arith.constant 16 : i32
          %mul3A_119 = arith.muli %scan3A_117, %mul3A : i32
          %get3A = arith.index_cast %mul3A_119 : i32 to index
          %get3A_120 = tpu.vector_load %arg10[%get3A] {strides = array<i32>} : memref<4096xi32, #tpu.memory_space<vmem>>, vector<16xi32>,
          %gt3A = arith.constant 0 : i32
          %gt3A_121 = vector.broadcast %gt3A : i32 to vector<16xi32>
          %gt3A_122 = arith.cmpi sgt, %get3A_120, %gt3A_121 : vector<16xi32>
          %get3A_123 = arith.index_cast %mul3A_119 : i32 to index
          %get3A_124 = tpu.vector_load %arg9[%get3A_123] {strides = array<i32>} : memref<4096xf32, #tpu.memory_space<vmem>>, vector<16xf32>,
          %eq3A_125 = vector.broadcast %reduce_max3A_64 : f32 to vector<16xf32>
          %eq3A_126 = arith.cmpf oeq, %get3A_124, %eq3A_125 : vector<16xf32>
          %and3A_127 = arith.andi %gt3A_122, %eq3A_126 : vector<16xi1>
          %add3A_128 = vector.broadcast %mul3A_119 : i32 to vector<16xi32>
          %add3A_129 = arith.addi %iota3A, %add3A_128 : vector<16xi32>
          %jit3A_130 = arith.constant -1 : i32
          %broadcast_in_dim3A_131 = vector.broadcast %jit3A_130 : i32 to vector<16xi32>
          %select_n3A_132 = arith.select %and3A_127, %add3A_129, %broadcast_in_dim3A_131 : vector<16xi1>, vector<16xi32>
          %max3A_133 = arith.maxsi %scan3A_118, %select_n3A_132 : vector<16xi32>
          scf.yield %max3A_133 : vector<16xi32>
        }
        %scan3A_72 = arith.constant 256 : i32
        %reduce_max3A_73 = arith.constant true
        %reduce_max3A_74 = vector.broadcast %reduce_max3A_73 : i1 to vector<16xi1>
        %reduce_max3A_75 = arith.constant -2147483648 : i32
        %reduce_max3A_76 = vector.broadcast %reduce_max3A_75 : i32 to vector<16xi32>
        %reduce_max3A_77 = arith.xori %scan3A_71, %reduce_max3A_76 : vector<16xi32>
        %reduce_max3A_78 = tpu.scan <max>, %reduce_max3A_77 masked %reduce_max3A_74 : vector<16xi32>, vector<16xi1> -> vector<16xi32>
        %reduce_max3A_79 = arith.xori %reduce_max3A_78, %reduce_max3A_76 : vector<16xi32>
        %reduce_max3A_80 = vector.extract %reduce_max3A_79[15] : i32 from vector<16xi32>
        %ge3A = arith.constant 0 : i32
        %ge3A_81 = arith.cmpi sge, %reduce_max3A_80, %ge3A : i32
        %max3A = arith.constant 0 : i32
        %max3A_82 = arith.maxsi %reduce_max3A_80, %max3A : i32
        %broadcast_in_dim3A_83 = vector.broadcast %max3A_82 : i32 to vector<16xi32>
        %gather3A = tpu.vector_load_idx %arg5[%broadcast_in_dim3A_83] : memref<4096xf32, #tpu.memory_space<vmem>>[vector<16xi32>], vector<16xf32>,
        %reduce_max3A_84 = arith.constant true
        %reduce_max3A_85 = vector.broadcast %reduce_max3A_84 : i1 to vector<16xi1>
        %reduce_max3A_86 = tpu.scan <max>, %gather3A masked %reduce_max3A_85 : vector<16xf32>, vector<16xi1> -> vector<16xf32>
        %reduce_max3A_87 = vector.extract %reduce_max3A_86[15] : f32 from vector<16xf32>
        %broadcast_in_dim3A_88 = arith.constant 0 : i32
        %broadcast_in_dim3A_89 = vector.broadcast %broadcast_in_dim3A_88 : i32 to vector<16xi32>
        %eq3A_90 = arith.constant 0 : i32
        %eq3A_91 = vector.broadcast %eq3A_90 : i32 to vector<16xi32>
        %eq3A_92 = arith.cmpi eq, %iota3A, %eq3A_91 : vector<16xi32>
        %and3A_93 = vector.broadcast %ge3A_81 : i1 to vector<16xi1>
        %and3A_94 = arith.andi %eq3A_92, %and3A_93 : vector<16xi1>
        tpu.vector_store_idx %arg10[%broadcast_in_dim3A_83], %broadcast_in_dim3A_89 masked %and3A_94 : memref<4096xi32, #tpu.memory_space<vmem>>[vector<16xi32>], vector<16xi32>, vector<16xi1>
        %jit3A_95 = arith.constant 0.000000e+00 : f32
        %select_n3A_96 = arith.select %ge3A_81, %reduce_max3A_64, %jit3A_95 : f32
        %jit3A_97 = arith.constant 0.000000e+00 : f32
        %select_n3A_98 = arith.select %ge3A_81, %reduce_max3A_87, %jit3A_97 : f32
        %add3A_99 = arith.constant 1 : i32
        %add3A_100 = arith.addi %add3A_99, %scan3A_52 : i32
        %eq3A_101 = vector.broadcast %add3A_100 : i32 to vector<16xi32>
        %eq3A_102 = arith.cmpi eq, %iota3A, %eq3A_101 : vector<16xi32>
        %jit3A_103 = arith.constant 0.000000e+00 : f32
        %broadcast_in_dim3A_104 = vector.broadcast %select_n3A_96 : f32 to vector<16xf32>
        %broadcast_in_dim3A_105 = vector.broadcast %jit3A_103 : f32 to vector<16xf32>
        %select_n3A_106 = arith.select %eq3A_102, %broadcast_in_dim3A_104, %broadcast_in_dim3A_105 : vector<16xi1>, vector<16xf32>
        %add3A_107 = arith.addf %scan3A_53, %select_n3A_106 : vector<16xf32>
        %add3A_108 = arith.constant 6 : i32
        %add3A_109 = arith.addi %add3A_108, %scan3A_52 : i32
        %eq3A_110 = vector.broadcast %add3A_109 : i32 to vector<16xi32>
        %eq3A_111 = arith.cmpi eq, %iota3A, %eq3A_110 : vector<16xi32>
        %jit3A_112 = arith.constant 0.000000e+00 : f32
        %broadcast_in_dim3A_113 = vector.broadcast %select_n3A_98 : f32 to vector<16xf32>
        %broadcast_in_dim3A_114 = vector.broadcast %jit3A_112 : f32 to vector<16xf32>
        %select_n3A_115 = arith.select %eq3A_111, %broadcast_in_dim3A_113, %broadcast_in_dim3A_114 : vector<16xi1>, vector<16xf32>
        %add3A_116 = arith.addf %add3A_107, %select_n3A_115 : vector<16xf32>
        scf.yield %add3A_116 : vector<16xf32>
      }
      %scan3A_50 = arith.constant 5 : i32
      %swap3A = arith.constant 0 : index
      %swap3A_51 = tpu.vector_load %arg11[%swap3A] {strides = array<i32>} : memref<16xf32, #tpu.memory_space<vmem>>, vector<16xf32>,
      tpu.vector_store %arg11[%swap3A], %scan3A_49 {strides = array<i32>} : memref<16xf32, #tpu.memory_space<vmem>>, vector<16xf32>,
      "tpu.region"() ({
        %run_scoped3A = tpu.sem_alloc : memref<!tpu.dma_semaphore, #tpu.memory_space<semaphore_mem>>
        tpu.enqueue_dma source(%arg11 : memref<16xf32, #tpu.memory_space<vmem>>) target(%arg4 : memref<16xf32, #tpu.memory_space<hbm>>) target_semaphore(%run_scoped3A : memref<!tpu.dma_semaphore, #tpu.memory_space<semaphore_mem>>)
        tpu.wait_dma2 semaphore(%run_scoped3A : memref<!tpu.dma_semaphore, #tpu.memory_space<semaphore_mem>>) src(%arg11 : memref<16xf32, #tpu.memory_space<vmem>>) dst(%arg4 : memref<16xf32, #tpu.memory_space<hbm>>)
        tpu.yield
      }) : () -> ()
    } else {
    }
    return
  }
}

module attributes {stable_mosaic.version = 14 : i64} {
  func.func @body(%arg0: i32, %arg1: memref<256x32xf32, #tpu.memory_space<vmem>>, %arg2: memref<1x256xf32, #tpu.memory_space<vmem>>, %arg3: memref<4096x32xf32, #tpu.memory_space<vmem>>, %arg4: memref<1x4096xf32, #tpu.memory_space<vmem>>, %arg5: memref<256x16xf32, #tpu.memory_space<vmem>>, %arg6: memref<256x16xi32, #tpu.memory_space<vmem>>) attributes {dimension_semantics = [#tpu.dimension_semantics<arbitrary>], iteration_bounds = array<i64: 16>, scalar_prefetch = 0 : i64, scratch_operands = 0 : i64, tpu.core_type = #tpu.core_type<tc>, window_params = [{transform_indices = @transform_0, window_bounds = array<i64: 256, 32>}, {transform_indices = @transform_1, window_bounds = array<i64: 1, 256>}, {pipeline_mode = #tpu.pipeline_mode<synchronous>, transform_indices = @transform_2, window_bounds = array<i64: 4096, 32>}, {pipeline_mode = #tpu.pipeline_mode<synchronous>, transform_indices = @transform_3, window_bounds = array<i64: 1, 4096>}, {transform_indices = @transform_4, window_bounds = array<i64: 256, 16>}, {transform_indices = @transform_5, window_bounds = array<i64: 256, 16>}]} {
    %get3A = arith.constant 0 : index
    %get3A_0 = arith.constant 0 : index
    %get3A_1 = vector.load %arg3[%get3A, %get3A_0] : memref<4096x32xf32, #tpu.memory_space<vmem>>, vector<4096x32xf32>
    %get3A_2 = arith.constant 0 : index
    %get3A_3 = arith.constant 0 : index
    %get3A_4 = vector.load %arg1[%get3A_2, %get3A_3] : memref<256x32xf32, #tpu.memory_space<vmem>>, vector<256x32xf32>
    %get3A_5 = arith.constant 0 : index
    %get3A_6 = arith.constant 0 : index
    %get3A_7 = vector.load %arg4[%get3A_5, %get3A_6] : memref<1x4096xf32, #tpu.memory_space<vmem>>, vector<1x4096xf32>
    %get3A_8 = vector.shape_cast %get3A_7 : vector<1x4096xf32> to vector<4096xf32>
    %get3A_9 = arith.constant 0 : index
    %get3A_10 = arith.constant 0 : index
    %get3A_11 = vector.load %arg2[%get3A_9, %get3A_10] : memref<1x256xf32, #tpu.memory_space<vmem>>, vector<1x256xf32>
    %get3A_12 = vector.shape_cast %get3A_11 : vector<1x256xf32> to vector<256xf32>
    %dot_general3A = arith.constant dense<0.000000e+00> : vector<256x4096xf32>
    %dot_general3A_13 = tpu.matmul %get3A_4, %get3A_1, %dot_general3A {dimension_numbers = #tpu.dot_dimension_numbers<[1], [1], [0], [0], [0, 0, 1, 0], [], []>, transpose_lhs_hint = false} : vector<256x32xf32>, vector<4096x32xf32>, vector<256x4096xf32> -> vector<256x4096xf32>
    %broadcast_in_dim3A = vector.shape_cast %get3A_12 : vector<256xf32> to vector<256x1xf32>
    %broadcast_in_dim3A_14 = vector.shape_cast %get3A_8 : vector<4096xf32> to vector<1x4096xf32>
    %add3A = vector.broadcast %broadcast_in_dim3A : vector<256x1xf32> to vector<256x4096xf32>
    %add3A_15 = vector.broadcast %broadcast_in_dim3A_14 : vector<1x4096xf32> to vector<256x4096xf32>
    %add3A_16 = arith.addf %add3A, %add3A_15 : vector<256x4096xf32>
    %mul3A = arith.constant 2.000000e+00 : f32
    %mul3A_17 = vector.broadcast %mul3A : f32 to vector<256x4096xf32>
    %mul3A_18 = arith.mulf %mul3A_17, %dot_general3A_13 : vector<256x4096xf32>
    %sub3A = arith.subf %add3A_16, %mul3A_18 : vector<256x4096xf32>
    %max3A = arith.constant 0.000000e+00 : f32
    %max3A_19 = vector.broadcast %max3A : f32 to vector<256x4096xf32>
    %max3A_20 = arith.maximumf %sub3A, %max3A_19 : vector<256x4096xf32>
    %iota3A = tpu.iota {dimensions = array<i32: 1>} : vector<256x4096xi32>
    %reduce_min3A = arith.constant dense<0x7F800000> : vector<256xf32>
    %reduce_min3A_21 = vector.multi_reduction <minimumf>, %max3A_20, %reduce_min3A [1] : vector<256x4096xf32> to vector<256xf32>
    %broadcast_in_dim3A_22 = vector.shape_cast %reduce_min3A_21 : vector<256xf32> to vector<256x1xf32>
    %eq3A = vector.broadcast %broadcast_in_dim3A_22 : vector<256x1xf32> to vector<256x4096xf32>
    %eq3A_23 = arith.cmpf oeq, %max3A_20, %eq3A : vector<256x4096xf32>
    %jit3A = arith.constant 4096 : i32
    %broadcast_in_dim3A_24 = vector.broadcast %jit3A : i32 to vector<256x4096xi32>
    %select_n3A = arith.select %eq3A_23, %iota3A, %broadcast_in_dim3A_24 : vector<256x4096xi1>, vector<256x4096xi32>
    %reduce_min3A_25 = arith.constant dense<2147483647> : vector<256xi32>
    %reduce_min3A_26 = vector.multi_reduction <minsi>, %select_n3A, %reduce_min3A_25 [1] : vector<256x4096xi32> to vector<256xi32>
    %broadcast_in_dim3A_27 = vector.shape_cast %reduce_min3A_26 : vector<256xi32> to vector<256x1xi32>
    %eq3A_28 = vector.broadcast %broadcast_in_dim3A_27 : vector<256x1xi32> to vector<256x4096xi32>
    %eq3A_29 = arith.cmpi eq, %iota3A, %eq3A_28 : vector<256x4096xi32>
    %jit3A_30 = arith.constant 0x7F800000 : f32
    %broadcast_in_dim3A_31 = vector.broadcast %jit3A_30 : f32 to vector<256x4096xf32>
    %select_n3A_32 = arith.select %eq3A_29, %broadcast_in_dim3A_31, %max3A_20 : vector<256x4096xi1>, vector<256x4096xf32>
    %reduce_min3A_33 = arith.constant dense<0x7F800000> : vector<256xf32>
    %reduce_min3A_34 = vector.multi_reduction <minimumf>, %select_n3A_32, %reduce_min3A_33 [1] : vector<256x4096xf32> to vector<256xf32>
    %broadcast_in_dim3A_35 = vector.shape_cast %reduce_min3A_34 : vector<256xf32> to vector<256x1xf32>
    %eq3A_36 = vector.broadcast %broadcast_in_dim3A_35 : vector<256x1xf32> to vector<256x4096xf32>
    %eq3A_37 = arith.cmpf oeq, %select_n3A_32, %eq3A_36 : vector<256x4096xf32>
    %jit3A_38 = arith.constant 4096 : i32
    %broadcast_in_dim3A_39 = vector.broadcast %jit3A_38 : i32 to vector<256x4096xi32>
    %select_n3A_40 = arith.select %eq3A_37, %iota3A, %broadcast_in_dim3A_39 : vector<256x4096xi1>, vector<256x4096xi32>
    %reduce_min3A_41 = arith.constant dense<2147483647> : vector<256xi32>
    %reduce_min3A_42 = vector.multi_reduction <minsi>, %select_n3A_40, %reduce_min3A_41 [1] : vector<256x4096xi32> to vector<256xi32>
    %broadcast_in_dim3A_43 = vector.shape_cast %reduce_min3A_42 : vector<256xi32> to vector<256x1xi32>
    %eq3A_44 = vector.broadcast %broadcast_in_dim3A_43 : vector<256x1xi32> to vector<256x4096xi32>
    %eq3A_45 = arith.cmpi eq, %iota3A, %eq3A_44 : vector<256x4096xi32>
    %jit3A_46 = arith.constant 0x7F800000 : f32
    %broadcast_in_dim3A_47 = vector.broadcast %jit3A_46 : f32 to vector<256x4096xf32>
    %select_n3A_48 = arith.select %eq3A_45, %broadcast_in_dim3A_47, %select_n3A_32 : vector<256x4096xi1>, vector<256x4096xf32>
    %reduce_min3A_49 = arith.constant dense<0x7F800000> : vector<256xf32>
    %reduce_min3A_50 = vector.multi_reduction <minimumf>, %select_n3A_48, %reduce_min3A_49 [1] : vector<256x4096xf32> to vector<256xf32>
    %broadcast_in_dim3A_51 = vector.shape_cast %reduce_min3A_50 : vector<256xf32> to vector<256x1xf32>
    %eq3A_52 = vector.broadcast %broadcast_in_dim3A_51 : vector<256x1xf32> to vector<256x4096xf32>
    %eq3A_53 = arith.cmpf oeq, %select_n3A_48, %eq3A_52 : vector<256x4096xf32>
    %jit3A_54 = arith.constant 4096 : i32
    %broadcast_in_dim3A_55 = vector.broadcast %jit3A_54 : i32 to vector<256x4096xi32>
    %select_n3A_56 = arith.select %eq3A_53, %iota3A, %broadcast_in_dim3A_55 : vector<256x4096xi1>, vector<256x4096xi32>
    %reduce_min3A_57 = arith.constant dense<2147483647> : vector<256xi32>
    %reduce_min3A_58 = vector.multi_reduction <minsi>, %select_n3A_56, %reduce_min3A_57 [1] : vector<256x4096xi32> to vector<256xi32>
    %broadcast_in_dim3A_59 = vector.shape_cast %reduce_min3A_58 : vector<256xi32> to vector<256x1xi32>
    %eq3A_60 = vector.broadcast %broadcast_in_dim3A_59 : vector<256x1xi32> to vector<256x4096xi32>
    %eq3A_61 = arith.cmpi eq, %iota3A, %eq3A_60 : vector<256x4096xi32>
    %jit3A_62 = arith.constant 0x7F800000 : f32
    %broadcast_in_dim3A_63 = vector.broadcast %jit3A_62 : f32 to vector<256x4096xf32>
    %select_n3A_64 = arith.select %eq3A_61, %broadcast_in_dim3A_63, %select_n3A_48 : vector<256x4096xi1>, vector<256x4096xf32>
    %reduce_min3A_65 = arith.constant dense<0x7F800000> : vector<256xf32>
    %reduce_min3A_66 = vector.multi_reduction <minimumf>, %select_n3A_64, %reduce_min3A_65 [1] : vector<256x4096xf32> to vector<256xf32>
    %broadcast_in_dim3A_67 = vector.shape_cast %reduce_min3A_66 : vector<256xf32> to vector<256x1xf32>
    %eq3A_68 = vector.broadcast %broadcast_in_dim3A_67 : vector<256x1xf32> to vector<256x4096xf32>
    %eq3A_69 = arith.cmpf oeq, %select_n3A_64, %eq3A_68 : vector<256x4096xf32>
    %jit3A_70 = arith.constant 4096 : i32
    %broadcast_in_dim3A_71 = vector.broadcast %jit3A_70 : i32 to vector<256x4096xi32>
    %select_n3A_72 = arith.select %eq3A_69, %iota3A, %broadcast_in_dim3A_71 : vector<256x4096xi1>, vector<256x4096xi32>
    %reduce_min3A_73 = arith.constant dense<2147483647> : vector<256xi32>
    %reduce_min3A_74 = vector.multi_reduction <minsi>, %select_n3A_72, %reduce_min3A_73 [1] : vector<256x4096xi32> to vector<256xi32>
    %broadcast_in_dim3A_75 = vector.shape_cast %reduce_min3A_74 : vector<256xi32> to vector<256x1xi32>
    %eq3A_76 = vector.broadcast %broadcast_in_dim3A_75 : vector<256x1xi32> to vector<256x4096xi32>
    %eq3A_77 = arith.cmpi eq, %iota3A, %eq3A_76 : vector<256x4096xi32>
    %jit3A_78 = arith.constant 0x7F800000 : f32
    %broadcast_in_dim3A_79 = vector.broadcast %jit3A_78 : f32 to vector<256x4096xf32>
    %select_n3A_80 = arith.select %eq3A_77, %broadcast_in_dim3A_79, %select_n3A_64 : vector<256x4096xi1>, vector<256x4096xf32>
    %reduce_min3A_81 = arith.constant dense<0x7F800000> : vector<256xf32>
    %reduce_min3A_82 = vector.multi_reduction <minimumf>, %select_n3A_80, %reduce_min3A_81 [1] : vector<256x4096xf32> to vector<256xf32>
    %broadcast_in_dim3A_83 = vector.shape_cast %reduce_min3A_82 : vector<256xf32> to vector<256x1xf32>
    %eq3A_84 = vector.broadcast %broadcast_in_dim3A_83 : vector<256x1xf32> to vector<256x4096xf32>
    %eq3A_85 = arith.cmpf oeq, %select_n3A_80, %eq3A_84 : vector<256x4096xf32>
    %jit3A_86 = arith.constant 4096 : i32
    %broadcast_in_dim3A_87 = vector.broadcast %jit3A_86 : i32 to vector<256x4096xi32>
    %select_n3A_88 = arith.select %eq3A_85, %iota3A, %broadcast_in_dim3A_87 : vector<256x4096xi1>, vector<256x4096xi32>
    %reduce_min3A_89 = arith.constant dense<2147483647> : vector<256xi32>
    %reduce_min3A_90 = vector.multi_reduction <minsi>, %select_n3A_88, %reduce_min3A_89 [1] : vector<256x4096xi32> to vector<256xi32>
    %broadcast_in_dim3A_91 = vector.shape_cast %reduce_min3A_90 : vector<256xi32> to vector<256x1xi32>
    %eq3A_92 = vector.broadcast %broadcast_in_dim3A_91 : vector<256x1xi32> to vector<256x4096xi32>
    %eq3A_93 = arith.cmpi eq, %iota3A, %eq3A_92 : vector<256x4096xi32>
    %jit3A_94 = arith.constant 0x7F800000 : f32
    %broadcast_in_dim3A_95 = vector.broadcast %jit3A_94 : f32 to vector<256x4096xf32>
    %select_n3A_96 = arith.select %eq3A_93, %broadcast_in_dim3A_95, %select_n3A_80 : vector<256x4096xi1>, vector<256x4096xf32>
    %reduce_min3A_97 = arith.constant dense<0x7F800000> : vector<256xf32>
    %reduce_min3A_98 = vector.multi_reduction <minimumf>, %select_n3A_96, %reduce_min3A_97 [1] : vector<256x4096xf32> to vector<256xf32>
    %broadcast_in_dim3A_99 = vector.shape_cast %reduce_min3A_98 : vector<256xf32> to vector<256x1xf32>
    %eq3A_100 = vector.broadcast %broadcast_in_dim3A_99 : vector<256x1xf32> to vector<256x4096xf32>
    %eq3A_101 = arith.cmpf oeq, %select_n3A_96, %eq3A_100 : vector<256x4096xf32>
    %jit3A_102 = arith.constant 4096 : i32
    %broadcast_in_dim3A_103 = vector.broadcast %jit3A_102 : i32 to vector<256x4096xi32>
    %select_n3A_104 = arith.select %eq3A_101, %iota3A, %broadcast_in_dim3A_103 : vector<256x4096xi1>, vector<256x4096xi32>
    %reduce_min3A_105 = arith.constant dense<2147483647> : vector<256xi32>
    %reduce_min3A_106 = vector.multi_reduction <minsi>, %select_n3A_104, %reduce_min3A_105 [1] : vector<256x4096xi32> to vector<256xi32>
    %broadcast_in_dim3A_107 = vector.shape_cast %reduce_min3A_106 : vector<256xi32> to vector<256x1xi32>
    %eq3A_108 = vector.broadcast %broadcast_in_dim3A_107 : vector<256x1xi32> to vector<256x4096xi32>
    %eq3A_109 = arith.cmpi eq, %iota3A, %eq3A_108 : vector<256x4096xi32>
    %jit3A_110 = arith.constant 0x7F800000 : f32
    %broadcast_in_dim3A_111 = vector.broadcast %jit3A_110 : f32 to vector<256x4096xf32>
    %select_n3A_112 = arith.select %eq3A_109, %broadcast_in_dim3A_111, %select_n3A_96 : vector<256x4096xi1>, vector<256x4096xf32>
    %reduce_min3A_113 = arith.constant dense<0x7F800000> : vector<256xf32>
    %reduce_min3A_114 = vector.multi_reduction <minimumf>, %select_n3A_112, %reduce_min3A_113 [1] : vector<256x4096xf32> to vector<256xf32>
    %broadcast_in_dim3A_115 = vector.shape_cast %reduce_min3A_114 : vector<256xf32> to vector<256x1xf32>
    %eq3A_116 = vector.broadcast %broadcast_in_dim3A_115 : vector<256x1xf32> to vector<256x4096xf32>
    %eq3A_117 = arith.cmpf oeq, %select_n3A_112, %eq3A_116 : vector<256x4096xf32>
    %jit3A_118 = arith.constant 4096 : i32
    %broadcast_in_dim3A_119 = vector.broadcast %jit3A_118 : i32 to vector<256x4096xi32>
    %select_n3A_120 = arith.select %eq3A_117, %iota3A, %broadcast_in_dim3A_119 : vector<256x4096xi1>, vector<256x4096xi32>
    %reduce_min3A_121 = arith.constant dense<2147483647> : vector<256xi32>
    %reduce_min3A_122 = vector.multi_reduction <minsi>, %select_n3A_120, %reduce_min3A_121 [1] : vector<256x4096xi32> to vector<256xi32>
    %broadcast_in_dim3A_123 = vector.shape_cast %reduce_min3A_122 : vector<256xi32> to vector<256x1xi32>
    %eq3A_124 = vector.broadcast %broadcast_in_dim3A_123 : vector<256x1xi32> to vector<256x4096xi32>
    %eq3A_125 = arith.cmpi eq, %iota3A, %eq3A_124 : vector<256x4096xi32>
    %jit3A_126 = arith.constant 0x7F800000 : f32
    %broadcast_in_dim3A_127 = vector.broadcast %jit3A_126 : f32 to vector<256x4096xf32>
    %select_n3A_128 = arith.select %eq3A_125, %broadcast_in_dim3A_127, %select_n3A_112 : vector<256x4096xi1>, vector<256x4096xf32>
    %reduce_min3A_129 = arith.constant dense<0x7F800000> : vector<256xf32>
    %reduce_min3A_130 = vector.multi_reduction <minimumf>, %select_n3A_128, %reduce_min3A_129 [1] : vector<256x4096xf32> to vector<256xf32>
    %broadcast_in_dim3A_131 = vector.shape_cast %reduce_min3A_130 : vector<256xf32> to vector<256x1xf32>
    %eq3A_132 = vector.broadcast %broadcast_in_dim3A_131 : vector<256x1xf32> to vector<256x4096xf32>
    %eq3A_133 = arith.cmpf oeq, %select_n3A_128, %eq3A_132 : vector<256x4096xf32>
    %jit3A_134 = arith.constant 4096 : i32
    %broadcast_in_dim3A_135 = vector.broadcast %jit3A_134 : i32 to vector<256x4096xi32>
    %select_n3A_136 = arith.select %eq3A_133, %iota3A, %broadcast_in_dim3A_135 : vector<256x4096xi1>, vector<256x4096xi32>
    %reduce_min3A_137 = arith.constant dense<2147483647> : vector<256xi32>
    %reduce_min3A_138 = vector.multi_reduction <minsi>, %select_n3A_136, %reduce_min3A_137 [1] : vector<256x4096xi32> to vector<256xi32>
    %broadcast_in_dim3A_139 = vector.shape_cast %reduce_min3A_138 : vector<256xi32> to vector<256x1xi32>
    %eq3A_140 = vector.broadcast %broadcast_in_dim3A_139 : vector<256x1xi32> to vector<256x4096xi32>
    %eq3A_141 = arith.cmpi eq, %iota3A, %eq3A_140 : vector<256x4096xi32>
    %jit3A_142 = arith.constant 0x7F800000 : f32
    %broadcast_in_dim3A_143 = vector.broadcast %jit3A_142 : f32 to vector<256x4096xf32>
    %select_n3A_144 = arith.select %eq3A_141, %broadcast_in_dim3A_143, %select_n3A_128 : vector<256x4096xi1>, vector<256x4096xf32>
    %reduce_min3A_145 = arith.constant dense<0x7F800000> : vector<256xf32>
    %reduce_min3A_146 = vector.multi_reduction <minimumf>, %select_n3A_144, %reduce_min3A_145 [1] : vector<256x4096xf32> to vector<256xf32>
    %broadcast_in_dim3A_147 = vector.shape_cast %reduce_min3A_146 : vector<256xf32> to vector<256x1xf32>
    %eq3A_148 = vector.broadcast %broadcast_in_dim3A_147 : vector<256x1xf32> to vector<256x4096xf32>
    %eq3A_149 = arith.cmpf oeq, %select_n3A_144, %eq3A_148 : vector<256x4096xf32>
    %jit3A_150 = arith.constant 4096 : i32
    %broadcast_in_dim3A_151 = vector.broadcast %jit3A_150 : i32 to vector<256x4096xi32>
    %select_n3A_152 = arith.select %eq3A_149, %iota3A, %broadcast_in_dim3A_151 : vector<256x4096xi1>, vector<256x4096xi32>
    %reduce_min3A_153 = arith.constant dense<2147483647> : vector<256xi32>
    %reduce_min3A_154 = vector.multi_reduction <minsi>, %select_n3A_152, %reduce_min3A_153 [1] : vector<256x4096xi32> to vector<256xi32>
    %broadcast_in_dim3A_155 = vector.shape_cast %reduce_min3A_154 : vector<256xi32> to vector<256x1xi32>
    %eq3A_156 = vector.broadcast %broadcast_in_dim3A_155 : vector<256x1xi32> to vector<256x4096xi32>
    %eq3A_157 = arith.cmpi eq, %iota3A, %eq3A_156 : vector<256x4096xi32>
    %jit3A_158 = arith.constant 0x7F800000 : f32
    %broadcast_in_dim3A_159 = vector.broadcast %jit3A_158 : f32 to vector<256x4096xf32>
    %select_n3A_160 = arith.select %eq3A_157, %broadcast_in_dim3A_159, %select_n3A_144 : vector<256x4096xi1>, vector<256x4096xf32>
    %reduce_min3A_161 = arith.constant dense<0x7F800000> : vector<256xf32>
    %reduce_min3A_162 = vector.multi_reduction <minimumf>, %select_n3A_160, %reduce_min3A_161 [1] : vector<256x4096xf32> to vector<256xf32>
    %broadcast_in_dim3A_163 = vector.shape_cast %reduce_min3A_162 : vector<256xf32> to vector<256x1xf32>
    %eq3A_164 = vector.broadcast %broadcast_in_dim3A_163 : vector<256x1xf32> to vector<256x4096xf32>
    %eq3A_165 = arith.cmpf oeq, %select_n3A_160, %eq3A_164 : vector<256x4096xf32>
    %jit3A_166 = arith.constant 4096 : i32
    %broadcast_in_dim3A_167 = vector.broadcast %jit3A_166 : i32 to vector<256x4096xi32>
    %select_n3A_168 = arith.select %eq3A_165, %iota3A, %broadcast_in_dim3A_167 : vector<256x4096xi1>, vector<256x4096xi32>
    %reduce_min3A_169 = arith.constant dense<2147483647> : vector<256xi32>
    %reduce_min3A_170 = vector.multi_reduction <minsi>, %select_n3A_168, %reduce_min3A_169 [1] : vector<256x4096xi32> to vector<256xi32>
    %broadcast_in_dim3A_171 = vector.shape_cast %reduce_min3A_170 : vector<256xi32> to vector<256x1xi32>
    %eq3A_172 = vector.broadcast %broadcast_in_dim3A_171 : vector<256x1xi32> to vector<256x4096xi32>
    %eq3A_173 = arith.cmpi eq, %iota3A, %eq3A_172 : vector<256x4096xi32>
    %jit3A_174 = arith.constant 0x7F800000 : f32
    %broadcast_in_dim3A_175 = vector.broadcast %jit3A_174 : f32 to vector<256x4096xf32>
    %select_n3A_176 = arith.select %eq3A_173, %broadcast_in_dim3A_175, %select_n3A_160 : vector<256x4096xi1>, vector<256x4096xf32>
    %reduce_min3A_177 = arith.constant dense<0x7F800000> : vector<256xf32>
    %reduce_min3A_178 = vector.multi_reduction <minimumf>, %select_n3A_176, %reduce_min3A_177 [1] : vector<256x4096xf32> to vector<256xf32>
    %broadcast_in_dim3A_179 = vector.shape_cast %reduce_min3A_178 : vector<256xf32> to vector<256x1xf32>
    %eq3A_180 = vector.broadcast %broadcast_in_dim3A_179 : vector<256x1xf32> to vector<256x4096xf32>
    %eq3A_181 = arith.cmpf oeq, %select_n3A_176, %eq3A_180 : vector<256x4096xf32>
    %jit3A_182 = arith.constant 4096 : i32
    %broadcast_in_dim3A_183 = vector.broadcast %jit3A_182 : i32 to vector<256x4096xi32>
    %select_n3A_184 = arith.select %eq3A_181, %iota3A, %broadcast_in_dim3A_183 : vector<256x4096xi1>, vector<256x4096xi32>
    %reduce_min3A_185 = arith.constant dense<2147483647> : vector<256xi32>
    %reduce_min3A_186 = vector.multi_reduction <minsi>, %select_n3A_184, %reduce_min3A_185 [1] : vector<256x4096xi32> to vector<256xi32>
    %broadcast_in_dim3A_187 = vector.shape_cast %reduce_min3A_186 : vector<256xi32> to vector<256x1xi32>
    %eq3A_188 = vector.broadcast %broadcast_in_dim3A_187 : vector<256x1xi32> to vector<256x4096xi32>
    %eq3A_189 = arith.cmpi eq, %iota3A, %eq3A_188 : vector<256x4096xi32>
    %jit3A_190 = arith.constant 0x7F800000 : f32
    %broadcast_in_dim3A_191 = vector.broadcast %jit3A_190 : f32 to vector<256x4096xf32>
    %select_n3A_192 = arith.select %eq3A_189, %broadcast_in_dim3A_191, %select_n3A_176 : vector<256x4096xi1>, vector<256x4096xf32>
    %reduce_min3A_193 = arith.constant dense<0x7F800000> : vector<256xf32>
    %reduce_min3A_194 = vector.multi_reduction <minimumf>, %select_n3A_192, %reduce_min3A_193 [1] : vector<256x4096xf32> to vector<256xf32>
    %broadcast_in_dim3A_195 = vector.shape_cast %reduce_min3A_194 : vector<256xf32> to vector<256x1xf32>
    %eq3A_196 = vector.broadcast %broadcast_in_dim3A_195 : vector<256x1xf32> to vector<256x4096xf32>
    %eq3A_197 = arith.cmpf oeq, %select_n3A_192, %eq3A_196 : vector<256x4096xf32>
    %jit3A_198 = arith.constant 4096 : i32
    %broadcast_in_dim3A_199 = vector.broadcast %jit3A_198 : i32 to vector<256x4096xi32>
    %select_n3A_200 = arith.select %eq3A_197, %iota3A, %broadcast_in_dim3A_199 : vector<256x4096xi1>, vector<256x4096xi32>
    %reduce_min3A_201 = arith.constant dense<2147483647> : vector<256xi32>
    %reduce_min3A_202 = vector.multi_reduction <minsi>, %select_n3A_200, %reduce_min3A_201 [1] : vector<256x4096xi32> to vector<256xi32>
    %broadcast_in_dim3A_203 = vector.shape_cast %reduce_min3A_202 : vector<256xi32> to vector<256x1xi32>
    %eq3A_204 = vector.broadcast %broadcast_in_dim3A_203 : vector<256x1xi32> to vector<256x4096xi32>
    %eq3A_205 = arith.cmpi eq, %iota3A, %eq3A_204 : vector<256x4096xi32>
    %jit3A_206 = arith.constant 0x7F800000 : f32
    %broadcast_in_dim3A_207 = vector.broadcast %jit3A_206 : f32 to vector<256x4096xf32>
    %select_n3A_208 = arith.select %eq3A_205, %broadcast_in_dim3A_207, %select_n3A_192 : vector<256x4096xi1>, vector<256x4096xf32>
    %reduce_min3A_209 = arith.constant dense<0x7F800000> : vector<256xf32>
    %reduce_min3A_210 = vector.multi_reduction <minimumf>, %select_n3A_208, %reduce_min3A_209 [1] : vector<256x4096xf32> to vector<256xf32>
    %broadcast_in_dim3A_211 = vector.shape_cast %reduce_min3A_210 : vector<256xf32> to vector<256x1xf32>
    %eq3A_212 = vector.broadcast %broadcast_in_dim3A_211 : vector<256x1xf32> to vector<256x4096xf32>
    %eq3A_213 = arith.cmpf oeq, %select_n3A_208, %eq3A_212 : vector<256x4096xf32>
    %jit3A_214 = arith.constant 4096 : i32
    %broadcast_in_dim3A_215 = vector.broadcast %jit3A_214 : i32 to vector<256x4096xi32>
    %select_n3A_216 = arith.select %eq3A_213, %iota3A, %broadcast_in_dim3A_215 : vector<256x4096xi1>, vector<256x4096xi32>
    %reduce_min3A_217 = arith.constant dense<2147483647> : vector<256xi32>
    %reduce_min3A_218 = vector.multi_reduction <minsi>, %select_n3A_216, %reduce_min3A_217 [1] : vector<256x4096xi32> to vector<256xi32>
    %broadcast_in_dim3A_219 = vector.shape_cast %reduce_min3A_218 : vector<256xi32> to vector<256x1xi32>
    %eq3A_220 = vector.broadcast %broadcast_in_dim3A_219 : vector<256x1xi32> to vector<256x4096xi32>
    %eq3A_221 = arith.cmpi eq, %iota3A, %eq3A_220 : vector<256x4096xi32>
    %jit3A_222 = arith.constant 0x7F800000 : f32
    %broadcast_in_dim3A_223 = vector.broadcast %jit3A_222 : f32 to vector<256x4096xf32>
    %select_n3A_224 = arith.select %eq3A_221, %broadcast_in_dim3A_223, %select_n3A_208 : vector<256x4096xi1>, vector<256x4096xf32>
    %reduce_min3A_225 = arith.constant dense<0x7F800000> : vector<256xf32>
    %reduce_min3A_226 = vector.multi_reduction <minimumf>, %select_n3A_224, %reduce_min3A_225 [1] : vector<256x4096xf32> to vector<256xf32>
    %broadcast_in_dim3A_227 = vector.shape_cast %reduce_min3A_226 : vector<256xf32> to vector<256x1xf32>
    %eq3A_228 = vector.broadcast %broadcast_in_dim3A_227 : vector<256x1xf32> to vector<256x4096xf32>
    %eq3A_229 = arith.cmpf oeq, %select_n3A_224, %eq3A_228 : vector<256x4096xf32>
    %jit3A_230 = arith.constant 4096 : i32
    %broadcast_in_dim3A_231 = vector.broadcast %jit3A_230 : i32 to vector<256x4096xi32>
    %select_n3A_232 = arith.select %eq3A_229, %iota3A, %broadcast_in_dim3A_231 : vector<256x4096xi1>, vector<256x4096xi32>
    %reduce_min3A_233 = arith.constant dense<2147483647> : vector<256xi32>
    %reduce_min3A_234 = vector.multi_reduction <minsi>, %select_n3A_232, %reduce_min3A_233 [1] : vector<256x4096xi32> to vector<256xi32>
    %broadcast_in_dim3A_235 = vector.shape_cast %reduce_min3A_234 : vector<256xi32> to vector<256x1xi32>
    %eq3A_236 = vector.broadcast %broadcast_in_dim3A_235 : vector<256x1xi32> to vector<256x4096xi32>
    %eq3A_237 = arith.cmpi eq, %iota3A, %eq3A_236 : vector<256x4096xi32>
    %jit3A_238 = arith.constant 0x7F800000 : f32
    %broadcast_in_dim3A_239 = vector.broadcast %jit3A_238 : f32 to vector<256x4096xf32>
    %select_n3A_240 = arith.select %eq3A_237, %broadcast_in_dim3A_239, %select_n3A_224 : vector<256x4096xi1>, vector<256x4096xf32>
    %reduce_min3A_241 = arith.constant dense<0x7F800000> : vector<256xf32>
    %reduce_min3A_242 = vector.multi_reduction <minimumf>, %select_n3A_240, %reduce_min3A_241 [1] : vector<256x4096xf32> to vector<256xf32>
    %broadcast_in_dim3A_243 = vector.shape_cast %reduce_min3A_242 : vector<256xf32> to vector<256x1xf32>
    %eq3A_244 = vector.broadcast %broadcast_in_dim3A_243 : vector<256x1xf32> to vector<256x4096xf32>
    %eq3A_245 = arith.cmpf oeq, %select_n3A_240, %eq3A_244 : vector<256x4096xf32>
    %jit3A_246 = arith.constant 4096 : i32
    %broadcast_in_dim3A_247 = vector.broadcast %jit3A_246 : i32 to vector<256x4096xi32>
    %select_n3A_248 = arith.select %eq3A_245, %iota3A, %broadcast_in_dim3A_247 : vector<256x4096xi1>, vector<256x4096xi32>
    %reduce_min3A_249 = arith.constant dense<2147483647> : vector<256xi32>
    %reduce_min3A_250 = vector.multi_reduction <minsi>, %select_n3A_248, %reduce_min3A_249 [1] : vector<256x4096xi32> to vector<256xi32>
    %broadcast_in_dim3A_251 = vector.shape_cast %reduce_min3A_250 : vector<256xi32> to vector<256x1xi32>
    %eq3A_252 = vector.broadcast %broadcast_in_dim3A_251 : vector<256x1xi32> to vector<256x4096xi32>
    %eq3A_253 = arith.cmpi eq, %iota3A, %eq3A_252 : vector<256x4096xi32>
    %jit3A_254 = arith.constant 0x7F800000 : f32
    %broadcast_in_dim3A_255 = vector.broadcast %jit3A_254 : f32 to vector<256x4096xf32>
    %select_n3A_256 = arith.select %eq3A_253, %broadcast_in_dim3A_255, %select_n3A_240 : vector<256x4096xi1>, vector<256x4096xf32>
    %reduce_min3A_257 = arith.constant dense<0x7F800000> : vector<256xf32>
    %reduce_min3A_258 = vector.multi_reduction <minimumf>, %select_n3A_256, %reduce_min3A_257 [1] : vector<256x4096xf32> to vector<256xf32>
    %broadcast_in_dim3A_259 = vector.shape_cast %reduce_min3A_258 : vector<256xf32> to vector<256x1xf32>
    %eq3A_260 = vector.broadcast %broadcast_in_dim3A_259 : vector<256x1xf32> to vector<256x4096xf32>
    %eq3A_261 = arith.cmpf oeq, %select_n3A_256, %eq3A_260 : vector<256x4096xf32>
    %jit3A_262 = arith.constant 4096 : i32
    %broadcast_in_dim3A_263 = vector.broadcast %jit3A_262 : i32 to vector<256x4096xi32>
    %select_n3A_264 = arith.select %eq3A_261, %iota3A, %broadcast_in_dim3A_263 : vector<256x4096xi1>, vector<256x4096xi32>
    %reduce_min3A_265 = arith.constant dense<2147483647> : vector<256xi32>
    %reduce_min3A_266 = vector.multi_reduction <minsi>, %select_n3A_264, %reduce_min3A_265 [1] : vector<256x4096xi32> to vector<256xi32>
    %broadcast_in_dim3A_267 = vector.shape_cast %reduce_min3A_266 : vector<256xi32> to vector<256x1xi32>
    %concatenate3A = tpu.concatenate %broadcast_in_dim3A_22, %broadcast_in_dim3A_35, %broadcast_in_dim3A_51, %broadcast_in_dim3A_67, %broadcast_in_dim3A_83, %broadcast_in_dim3A_99, %broadcast_in_dim3A_115, %broadcast_in_dim3A_131, %broadcast_in_dim3A_147, %broadcast_in_dim3A_163, %broadcast_in_dim3A_179, %broadcast_in_dim3A_195, %broadcast_in_dim3A_211, %broadcast_in_dim3A_227, %broadcast_in_dim3A_243, %broadcast_in_dim3A_259 in 1 : vector<256x1xf32>, vector<256x1xf32>, vector<256x1xf32>, vector<256x1xf32>, vector<256x1xf32>, vector<256x1xf32>, vector<256x1xf32>, vector<256x1xf32>, vector<256x1xf32>, vector<256x1xf32>, vector<256x1xf32>, vector<256x1xf32>, vector<256x1xf32>, vector<256x1xf32>, vector<256x1xf32>, vector<256x1xf32> -> vector<256x16xf32>
    %swap3A = arith.constant 0 : index
    %swap3A_268 = arith.constant 0 : index
    %swap3A_269 = vector.load %arg5[%swap3A, %swap3A_268] : memref<256x16xf32, #tpu.memory_space<vmem>>, vector<256x16xf32>
    tpu.vector_store %arg5[%swap3A, %swap3A_268], %concatenate3A {strides = array<i32>} : memref<256x16xf32, #tpu.memory_space<vmem>>, vector<256x16xf32>,
    %concatenate3A_270 = tpu.concatenate %broadcast_in_dim3A_27, %broadcast_in_dim3A_43, %broadcast_in_dim3A_59, %broadcast_in_dim3A_75, %broadcast_in_dim3A_91, %broadcast_in_dim3A_107, %broadcast_in_dim3A_123, %broadcast_in_dim3A_139, %broadcast_in_dim3A_155, %broadcast_in_dim3A_171, %broadcast_in_dim3A_187, %broadcast_in_dim3A_203, %broadcast_in_dim3A_219, %broadcast_in_dim3A_235, %broadcast_in_dim3A_251, %broadcast_in_dim3A_267 in 1 : vector<256x1xi32>, vector<256x1xi32>, vector<256x1xi32>, vector<256x1xi32>, vector<256x1xi32>, vector<256x1xi32>, vector<256x1xi32>, vector<256x1xi32>, vector<256x1xi32>, vector<256x1xi32>, vector<256x1xi32>, vector<256x1xi32>, vector<256x1xi32>, vector<256x1xi32>, vector<256x1xi32>, vector<256x1xi32> -> vector<256x16xi32>
    %swap3A_271 = arith.constant 0 : index
    %swap3A_272 = arith.constant 0 : index
    %swap3A_273 = vector.load %arg6[%swap3A_271, %swap3A_272] : memref<256x16xi32, #tpu.memory_space<vmem>>, vector<256x16xi32>
    tpu.vector_store %arg6[%swap3A_271, %swap3A_272], %concatenate3A_270 {strides = array<i32>} : memref<256x16xi32, #tpu.memory_space<vmem>>, vector<256x16xi32>,
    return
  }
  func.func @transform_0(%arg0: i32) -> (i32, i32) {
    %c0_i32 = arith.constant 0 : i32
    %c0_i32_0 = arith.constant 0 : i32
    return %arg0, %c0_i32 : i32, i32
  }
  func.func @transform_1(%arg0: i32) -> (i32, i32) {
    %c0_i32 = arith.constant 0 : i32
    %c0_i32_0 = arith.constant 0 : i32
    return %c0_i32, %arg0 : i32, i32
  }
  func.func @transform_2(%arg0: i32) -> (i32, i32) {
    %c0_i32 = arith.constant 0 : i32
    %c0_i32_0 = arith.constant 0 : i32
    %c0_i32_1 = arith.constant 0 : i32
    return %c0_i32, %c0_i32_0 : i32, i32
  }
  func.func @transform_3(%arg0: i32) -> (i32, i32) {
    %c0_i32 = arith.constant 0 : i32
    %c0_i32_0 = arith.constant 0 : i32
    %c0_i32_1 = arith.constant 0 : i32
    return %c0_i32, %c0_i32_0 : i32, i32
  }
  func.func @transform_4(%arg0: i32) -> (i32, i32) {
    %c0_i32 = arith.constant 0 : i32
    %c0_i32_0 = arith.constant 0 : i32
    return %arg0, %c0_i32 : i32, i32
  }
  func.func @transform_5(%arg0: i32) -> (i32, i32) {
    %c0_i32 = arith.constant 0 : i32
    %c0_i32_0 = arith.constant 0 : i32
    return %arg0, %c0_i32 : i32, i32
  }
}

module attributes {stable_mosaic.version = 14 : i64} {
  func.func @body(%arg0: i32, %arg1: memref<256x32xf32, #tpu.memory_space<vmem>>, %arg2: memref<1x256xf32, #tpu.memory_space<vmem>>, %arg3: memref<4096x32xf32, #tpu.memory_space<vmem>>, %arg4: memref<1x4096xf32, #tpu.memory_space<vmem>>, %arg5: memref<256x16xf32, #tpu.memory_space<vmem>>, %arg6: memref<256x16xi32, #tpu.memory_space<vmem>>) attributes {dimension_semantics = [#tpu.dimension_semantics<arbitrary>], iteration_bounds = array<i64: 16>, scalar_prefetch = 0 : i64, scratch_operands = 0 : i64, tpu.core_type = #tpu.core_type<tc>, window_params = [{transform_indices = @transform_0, window_bounds = array<i64: 256, 32>}, {transform_indices = @transform_1, window_bounds = array<i64: 1, 256>}, {pipeline_mode = #tpu.pipeline_mode<synchronous>, transform_indices = @transform_2, window_bounds = array<i64: 4096, 32>}, {pipeline_mode = #tpu.pipeline_mode<synchronous>, transform_indices = @transform_3, window_bounds = array<i64: 1, 4096>}, {transform_indices = @transform_4, window_bounds = array<i64: 256, 16>}, {transform_indices = @transform_5, window_bounds = array<i64: 256, 16>}]} {
    %get3A = arith.constant 0 : index
    %get3A_0 = arith.constant 0 : index
    %get3A_1 = vector.load %arg3[%get3A, %get3A_0] : memref<4096x32xf32, #tpu.memory_space<vmem>>, vector<4096x32xf32>
    %get3A_2 = arith.constant 0 : index
    %get3A_3 = arith.constant 0 : index
    %get3A_4 = vector.load %arg1[%get3A_2, %get3A_3] : memref<256x32xf32, #tpu.memory_space<vmem>>, vector<256x32xf32>
    %get3A_5 = arith.constant 0 : index
    %get3A_6 = arith.constant 0 : index
    %get3A_7 = vector.load %arg4[%get3A_5, %get3A_6] : memref<1x4096xf32, #tpu.memory_space<vmem>>, vector<1x4096xf32>
    %get3A_8 = vector.shape_cast %get3A_7 : vector<1x4096xf32> to vector<4096xf32>
    %get3A_9 = arith.constant 0 : index
    %get3A_10 = arith.constant 0 : index
    %get3A_11 = vector.load %arg2[%get3A_9, %get3A_10] : memref<1x256xf32, #tpu.memory_space<vmem>>, vector<1x256xf32>
    %get3A_12 = vector.shape_cast %get3A_11 : vector<1x256xf32> to vector<256xf32>
    %dot_general3A = arith.constant dense<0.000000e+00> : vector<256x4096xf32>
    %dot_general3A_13 = tpu.matmul %get3A_4, %get3A_1, %dot_general3A {dimension_numbers = #tpu.dot_dimension_numbers<[1], [1], [0], [0], [0, 0, 1, 0], [], []>, transpose_lhs_hint = false} : vector<256x32xf32>, vector<4096x32xf32>, vector<256x4096xf32> -> vector<256x4096xf32>
    %broadcast_in_dim3A = vector.shape_cast %get3A_12 : vector<256xf32> to vector<256x1xf32>
    %broadcast_in_dim3A_14 = vector.shape_cast %get3A_8 : vector<4096xf32> to vector<1x4096xf32>
    %add3A = vector.broadcast %broadcast_in_dim3A : vector<256x1xf32> to vector<256x4096xf32>
    %add3A_15 = vector.broadcast %broadcast_in_dim3A_14 : vector<1x4096xf32> to vector<256x4096xf32>
    %add3A_16 = arith.addf %add3A, %add3A_15 : vector<256x4096xf32>
    %mul3A = arith.constant 2.000000e+00 : f32
    %mul3A_17 = vector.broadcast %mul3A : f32 to vector<256x4096xf32>
    %mul3A_18 = arith.mulf %mul3A_17, %dot_general3A_13 : vector<256x4096xf32>
    %sub3A = arith.subf %add3A_16, %mul3A_18 : vector<256x4096xf32>
    %max3A = arith.constant 0.000000e+00 : f32
    %max3A_19 = vector.broadcast %max3A : f32 to vector<256x4096xf32>
    %max3A_20 = arith.maximumf %sub3A, %max3A_19 : vector<256x4096xf32>
    %iota3A = tpu.iota {dimensions = array<i32: 1>} : vector<256x4096xi32>
    %reduce_min3A = arith.constant dense<0x7F800000> : vector<256xf32>
    %reduce_min3A_21 = vector.multi_reduction <minimumf>, %max3A_20, %reduce_min3A [1] : vector<256x4096xf32> to vector<256xf32>
    %broadcast_in_dim3A_22 = vector.shape_cast %reduce_min3A_21 : vector<256xf32> to vector<256x1xf32>
    %eq3A = vector.broadcast %broadcast_in_dim3A_22 : vector<256x1xf32> to vector<256x4096xf32>
    %eq3A_23 = arith.cmpf oeq, %max3A_20, %eq3A : vector<256x4096xf32>
    %jit3A = arith.constant 4096 : i32
    %broadcast_in_dim3A_24 = vector.broadcast %jit3A : i32 to vector<256x4096xi32>
    %select_n3A = arith.select %eq3A_23, %iota3A, %broadcast_in_dim3A_24 : vector<256x4096xi1>, vector<256x4096xi32>
    %reduce_min3A_25 = arith.constant dense<2147483647> : vector<256xi32>
    %reduce_min3A_26 = vector.multi_reduction <minsi>, %select_n3A, %reduce_min3A_25 [1] : vector<256x4096xi32> to vector<256xi32>
    %broadcast_in_dim3A_27 = vector.shape_cast %reduce_min3A_26 : vector<256xi32> to vector<256x1xi32>
    %eq3A_28 = vector.broadcast %broadcast_in_dim3A_27 : vector<256x1xi32> to vector<256x4096xi32>
    %eq3A_29 = arith.cmpi eq, %iota3A, %eq3A_28 : vector<256x4096xi32>
    %jit3A_30 = arith.constant 0x7F800000 : f32
    %broadcast_in_dim3A_31 = vector.broadcast %jit3A_30 : f32 to vector<256x4096xf32>
    %select_n3A_32 = arith.select %eq3A_29, %broadcast_in_dim3A_31, %max3A_20 : vector<256x4096xi1>, vector<256x4096xf32>
    %reduce_min3A_33 = arith.constant dense<0x7F800000> : vector<256xf32>
    %reduce_min3A_34 = vector.multi_reduction <minimumf>, %select_n3A_32, %reduce_min3A_33 [1] : vector<256x4096xf32> to vector<256xf32>
    %broadcast_in_dim3A_35 = vector.shape_cast %reduce_min3A_34 : vector<256xf32> to vector<256x1xf32>
    %eq3A_36 = vector.broadcast %broadcast_in_dim3A_35 : vector<256x1xf32> to vector<256x4096xf32>
    %eq3A_37 = arith.cmpf oeq, %select_n3A_32, %eq3A_36 : vector<256x4096xf32>
    %jit3A_38 = arith.constant 4096 : i32
    %broadcast_in_dim3A_39 = vector.broadcast %jit3A_38 : i32 to vector<256x4096xi32>
    %select_n3A_40 = arith.select %eq3A_37, %iota3A, %broadcast_in_dim3A_39 : vector<256x4096xi1>, vector<256x4096xi32>
    %reduce_min3A_41 = arith.constant dense<2147483647> : vector<256xi32>
    %reduce_min3A_42 = vector.multi_reduction <minsi>, %select_n3A_40, %reduce_min3A_41 [1] : vector<256x4096xi32> to vector<256xi32>
    %broadcast_in_dim3A_43 = vector.shape_cast %reduce_min3A_42 : vector<256xi32> to vector<256x1xi32>
    %eq3A_44 = vector.broadcast %broadcast_in_dim3A_43 : vector<256x1xi32> to vector<256x4096xi32>
    %eq3A_45 = arith.cmpi eq, %iota3A, %eq3A_44 : vector<256x4096xi32>
    %jit3A_46 = arith.constant 0x7F800000 : f32
    %broadcast_in_dim3A_47 = vector.broadcast %jit3A_46 : f32 to vector<256x4096xf32>
    %select_n3A_48 = arith.select %eq3A_45, %broadcast_in_dim3A_47, %select_n3A_32 : vector<256x4096xi1>, vector<256x4096xf32>
    %reduce_min3A_49 = arith.constant dense<0x7F800000> : vector<256xf32>
    %reduce_min3A_50 = vector.multi_reduction <minimumf>, %select_n3A_48, %reduce_min3A_49 [1] : vector<256x4096xf32> to vector<256xf32>
    %broadcast_in_dim3A_51 = vector.shape_cast %reduce_min3A_50 : vector<256xf32> to vector<256x1xf32>
    %eq3A_52 = vector.broadcast %broadcast_in_dim3A_51 : vector<256x1xf32> to vector<256x4096xf32>
    %eq3A_53 = arith.cmpf oeq, %select_n3A_48, %eq3A_52 : vector<256x4096xf32>
    %jit3A_54 = arith.constant 4096 : i32
    %broadcast_in_dim3A_55 = vector.broadcast %jit3A_54 : i32 to vector<256x4096xi32>
    %select_n3A_56 = arith.select %eq3A_53, %iota3A, %broadcast_in_dim3A_55 : vector<256x4096xi1>, vector<256x4096xi32>
    %reduce_min3A_57 = arith.constant dense<2147483647> : vector<256xi32>
    %reduce_min3A_58 = vector.multi_reduction <minsi>, %select_n3A_56, %reduce_min3A_57 [1] : vector<256x4096xi32> to vector<256xi32>
    %broadcast_in_dim3A_59 = vector.shape_cast %reduce_min3A_58 : vector<256xi32> to vector<256x1xi32>
    %eq3A_60 = vector.broadcast %broadcast_in_dim3A_59 : vector<256x1xi32> to vector<256x4096xi32>
    %eq3A_61 = arith.cmpi eq, %iota3A, %eq3A_60 : vector<256x4096xi32>
    %jit3A_62 = arith.constant 0x7F800000 : f32
    %broadcast_in_dim3A_63 = vector.broadcast %jit3A_62 : f32 to vector<256x4096xf32>
    %select_n3A_64 = arith.select %eq3A_61, %broadcast_in_dim3A_63, %select_n3A_48 : vector<256x4096xi1>, vector<256x4096xf32>
    %reduce_min3A_65 = arith.constant dense<0x7F800000> : vector<256xf32>
    %reduce_min3A_66 = vector.multi_reduction <minimumf>, %select_n3A_64, %reduce_min3A_65 [1] : vector<256x4096xf32> to vector<256xf32>
    %broadcast_in_dim3A_67 = vector.shape_cast %reduce_min3A_66 : vector<256xf32> to vector<256x1xf32>
    %eq3A_68 = vector.broadcast %broadcast_in_dim3A_67 : vector<256x1xf32> to vector<256x4096xf32>
    %eq3A_69 = arith.cmpf oeq, %select_n3A_64, %eq3A_68 : vector<256x4096xf32>
    %jit3A_70 = arith.constant 4096 : i32
    %broadcast_in_dim3A_71 = vector.broadcast %jit3A_70 : i32 to vector<256x4096xi32>
    %select_n3A_72 = arith.select %eq3A_69, %iota3A, %broadcast_in_dim3A_71 : vector<256x4096xi1>, vector<256x4096xi32>
    %reduce_min3A_73 = arith.constant dense<2147483647> : vector<256xi32>
    %reduce_min3A_74 = vector.multi_reduction <minsi>, %select_n3A_72, %reduce_min3A_73 [1] : vector<256x4096xi32> to vector<256xi32>
    %broadcast_in_dim3A_75 = vector.shape_cast %reduce_min3A_74 : vector<256xi32> to vector<256x1xi32>
    %eq3A_76 = vector.broadcast %broadcast_in_dim3A_75 : vector<256x1xi32> to vector<256x4096xi32>
    %eq3A_77 = arith.cmpi eq, %iota3A, %eq3A_76 : vector<256x4096xi32>
    %jit3A_78 = arith.constant 0x7F800000 : f32
    %broadcast_in_dim3A_79 = vector.broadcast %jit3A_78 : f32 to vector<256x4096xf32>
    %select_n3A_80 = arith.select %eq3A_77, %broadcast_in_dim3A_79, %select_n3A_64 : vector<256x4096xi1>, vector<256x4096xf32>
    %reduce_min3A_81 = arith.constant dense<0x7F800000> : vector<256xf32>
    %reduce_min3A_82 = vector.multi_reduction <minimumf>, %select_n3A_80, %reduce_min3A_81 [1] : vector<256x4096xf32> to vector<256xf32>
    %broadcast_in_dim3A_83 = vector.shape_cast %reduce_min3A_82 : vector<256xf32> to vector<256x1xf32>
    %eq3A_84 = vector.broadcast %broadcast_in_dim3A_83 : vector<256x1xf32> to vector<256x4096xf32>
    %eq3A_85 = arith.cmpf oeq, %select_n3A_80, %eq3A_84 : vector<256x4096xf32>
    %jit3A_86 = arith.constant 4096 : i32
    %broadcast_in_dim3A_87 = vector.broadcast %jit3A_86 : i32 to vector<256x4096xi32>
    %select_n3A_88 = arith.select %eq3A_85, %iota3A, %broadcast_in_dim3A_87 : vector<256x4096xi1>, vector<256x4096xi32>
    %reduce_min3A_89 = arith.constant dense<2147483647> : vector<256xi32>
    %reduce_min3A_90 = vector.multi_reduction <minsi>, %select_n3A_88, %reduce_min3A_89 [1] : vector<256x4096xi32> to vector<256xi32>
    %broadcast_in_dim3A_91 = vector.shape_cast %reduce_min3A_90 : vector<256xi32> to vector<256x1xi32>
    %eq3A_92 = vector.broadcast %broadcast_in_dim3A_91 : vector<256x1xi32> to vector<256x4096xi32>
    %eq3A_93 = arith.cmpi eq, %iota3A, %eq3A_92 : vector<256x4096xi32>
    %jit3A_94 = arith.constant 0x7F800000 : f32
    %broadcast_in_dim3A_95 = vector.broadcast %jit3A_94 : f32 to vector<256x4096xf32>
    %select_n3A_96 = arith.select %eq3A_93, %broadcast_in_dim3A_95, %select_n3A_80 : vector<256x4096xi1>, vector<256x4096xf32>
    %reduce_min3A_97 = arith.constant dense<0x7F800000> : vector<256xf32>
    %reduce_min3A_98 = vector.multi_reduction <minimumf>, %select_n3A_96, %reduce_min3A_97 [1] : vector<256x4096xf32> to vector<256xf32>
    %broadcast_in_dim3A_99 = vector.shape_cast %reduce_min3A_98 : vector<256xf32> to vector<256x1xf32>
    %eq3A_100 = vector.broadcast %broadcast_in_dim3A_99 : vector<256x1xf32> to vector<256x4096xf32>
    %eq3A_101 = arith.cmpf oeq, %select_n3A_96, %eq3A_100 : vector<256x4096xf32>
    %jit3A_102 = arith.constant 4096 : i32
    %broadcast_in_dim3A_103 = vector.broadcast %jit3A_102 : i32 to vector<256x4096xi32>
    %select_n3A_104 = arith.select %eq3A_101, %iota3A, %broadcast_in_dim3A_103 : vector<256x4096xi1>, vector<256x4096xi32>
    %reduce_min3A_105 = arith.constant dense<2147483647> : vector<256xi32>
    %reduce_min3A_106 = vector.multi_reduction <minsi>, %select_n3A_104, %reduce_min3A_105 [1] : vector<256x4096xi32> to vector<256xi32>
    %broadcast_in_dim3A_107 = vector.shape_cast %reduce_min3A_106 : vector<256xi32> to vector<256x1xi32>
    %eq3A_108 = vector.broadcast %broadcast_in_dim3A_107 : vector<256x1xi32> to vector<256x4096xi32>
    %eq3A_109 = arith.cmpi eq, %iota3A, %eq3A_108 : vector<256x4096xi32>
    %jit3A_110 = arith.constant 0x7F800000 : f32
    %broadcast_in_dim3A_111 = vector.broadcast %jit3A_110 : f32 to vector<256x4096xf32>
    %select_n3A_112 = arith.select %eq3A_109, %broadcast_in_dim3A_111, %select_n3A_96 : vector<256x4096xi1>, vector<256x4096xf32>
    %reduce_min3A_113 = arith.constant dense<0x7F800000> : vector<256xf32>
    %reduce_min3A_114 = vector.multi_reduction <minimumf>, %select_n3A_112, %reduce_min3A_113 [1] : vector<256x4096xf32> to vector<256xf32>
    %broadcast_in_dim3A_115 = vector.shape_cast %reduce_min3A_114 : vector<256xf32> to vector<256x1xf32>
    %eq3A_116 = vector.broadcast %broadcast_in_dim3A_115 : vector<256x1xf32> to vector<256x4096xf32>
    %eq3A_117 = arith.cmpf oeq, %select_n3A_112, %eq3A_116 : vector<256x4096xf32>
    %jit3A_118 = arith.constant 4096 : i32
    %broadcast_in_dim3A_119 = vector.broadcast %jit3A_118 : i32 to vector<256x4096xi32>
    %select_n3A_120 = arith.select %eq3A_117, %iota3A, %broadcast_in_dim3A_119 : vector<256x4096xi1>, vector<256x4096xi32>
    %reduce_min3A_121 = arith.constant dense<2147483647> : vector<256xi32>
    %reduce_min3A_122 = vector.multi_reduction <minsi>, %select_n3A_120, %reduce_min3A_121 [1] : vector<256x4096xi32> to vector<256xi32>
    %broadcast_in_dim3A_123 = vector.shape_cast %reduce_min3A_122 : vector<256xi32> to vector<256x1xi32>
    %eq3A_124 = vector.broadcast %broadcast_in_dim3A_123 : vector<256x1xi32> to vector<256x4096xi32>
    %eq3A_125 = arith.cmpi eq, %iota3A, %eq3A_124 : vector<256x4096xi32>
    %jit3A_126 = arith.constant 0x7F800000 : f32
    %broadcast_in_dim3A_127 = vector.broadcast %jit3A_126 : f32 to vector<256x4096xf32>
    %select_n3A_128 = arith.select %eq3A_125, %broadcast_in_dim3A_127, %select_n3A_112 : vector<256x4096xi1>, vector<256x4096xf32>
    %reduce_min3A_129 = arith.constant dense<0x7F800000> : vector<256xf32>
    %reduce_min3A_130 = vector.multi_reduction <minimumf>, %select_n3A_128, %reduce_min3A_129 [1] : vector<256x4096xf32> to vector<256xf32>
    %broadcast_in_dim3A_131 = vector.shape_cast %reduce_min3A_130 : vector<256xf32> to vector<256x1xf32>
    %eq3A_132 = vector.broadcast %broadcast_in_dim3A_131 : vector<256x1xf32> to vector<256x4096xf32>
    %eq3A_133 = arith.cmpf oeq, %select_n3A_128, %eq3A_132 : vector<256x4096xf32>
    %jit3A_134 = arith.constant 4096 : i32
    %broadcast_in_dim3A_135 = vector.broadcast %jit3A_134 : i32 to vector<256x4096xi32>
    %select_n3A_136 = arith.select %eq3A_133, %iota3A, %broadcast_in_dim3A_135 : vector<256x4096xi1>, vector<256x4096xi32>
    %reduce_min3A_137 = arith.constant dense<2147483647> : vector<256xi32>
    %reduce_min3A_138 = vector.multi_reduction <minsi>, %select_n3A_136, %reduce_min3A_137 [1] : vector<256x4096xi32> to vector<256xi32>
    %broadcast_in_dim3A_139 = vector.shape_cast %reduce_min3A_138 : vector<256xi32> to vector<256x1xi32>
    %eq3A_140 = vector.broadcast %broadcast_in_dim3A_139 : vector<256x1xi32> to vector<256x4096xi32>
    %eq3A_141 = arith.cmpi eq, %iota3A, %eq3A_140 : vector<256x4096xi32>
    %jit3A_142 = arith.constant 0x7F800000 : f32
    %broadcast_in_dim3A_143 = vector.broadcast %jit3A_142 : f32 to vector<256x4096xf32>
    %select_n3A_144 = arith.select %eq3A_141, %broadcast_in_dim3A_143, %select_n3A_128 : vector<256x4096xi1>, vector<256x4096xf32>
    %reduce_min3A_145 = arith.constant dense<0x7F800000> : vector<256xf32>
    %reduce_min3A_146 = vector.multi_reduction <minimumf>, %select_n3A_144, %reduce_min3A_145 [1] : vector<256x4096xf32> to vector<256xf32>
    %broadcast_in_dim3A_147 = vector.shape_cast %reduce_min3A_146 : vector<256xf32> to vector<256x1xf32>
    %eq3A_148 = vector.broadcast %broadcast_in_dim3A_147 : vector<256x1xf32> to vector<256x4096xf32>
    %eq3A_149 = arith.cmpf oeq, %select_n3A_144, %eq3A_148 : vector<256x4096xf32>
    %jit3A_150 = arith.constant 4096 : i32
    %broadcast_in_dim3A_151 = vector.broadcast %jit3A_150 : i32 to vector<256x4096xi32>
    %select_n3A_152 = arith.select %eq3A_149, %iota3A, %broadcast_in_dim3A_151 : vector<256x4096xi1>, vector<256x4096xi32>
    %reduce_min3A_153 = arith.constant dense<2147483647> : vector<256xi32>
    %reduce_min3A_154 = vector.multi_reduction <minsi>, %select_n3A_152, %reduce_min3A_153 [1] : vector<256x4096xi32> to vector<256xi32>
    %broadcast_in_dim3A_155 = vector.shape_cast %reduce_min3A_154 : vector<256xi32> to vector<256x1xi32>
    %eq3A_156 = vector.broadcast %broadcast_in_dim3A_155 : vector<256x1xi32> to vector<256x4096xi32>
    %eq3A_157 = arith.cmpi eq, %iota3A, %eq3A_156 : vector<256x4096xi32>
    %jit3A_158 = arith.constant 0x7F800000 : f32
    %broadcast_in_dim3A_159 = vector.broadcast %jit3A_158 : f32 to vector<256x4096xf32>
    %select_n3A_160 = arith.select %eq3A_157, %broadcast_in_dim3A_159, %select_n3A_144 : vector<256x4096xi1>, vector<256x4096xf32>
    %reduce_min3A_161 = arith.constant dense<0x7F800000> : vector<256xf32>
    %reduce_min3A_162 = vector.multi_reduction <minimumf>, %select_n3A_160, %reduce_min3A_161 [1] : vector<256x4096xf32> to vector<256xf32>
    %broadcast_in_dim3A_163 = vector.shape_cast %reduce_min3A_162 : vector<256xf32> to vector<256x1xf32>
    %eq3A_164 = vector.broadcast %broadcast_in_dim3A_163 : vector<256x1xf32> to vector<256x4096xf32>
    %eq3A_165 = arith.cmpf oeq, %select_n3A_160, %eq3A_164 : vector<256x4096xf32>
    %jit3A_166 = arith.constant 4096 : i32
    %broadcast_in_dim3A_167 = vector.broadcast %jit3A_166 : i32 to vector<256x4096xi32>
    %select_n3A_168 = arith.select %eq3A_165, %iota3A, %broadcast_in_dim3A_167 : vector<256x4096xi1>, vector<256x4096xi32>
    %reduce_min3A_169 = arith.constant dense<2147483647> : vector<256xi32>
    %reduce_min3A_170 = vector.multi_reduction <minsi>, %select_n3A_168, %reduce_min3A_169 [1] : vector<256x4096xi32> to vector<256xi32>
    %broadcast_in_dim3A_171 = vector.shape_cast %reduce_min3A_170 : vector<256xi32> to vector<256x1xi32>
    %eq3A_172 = vector.broadcast %broadcast_in_dim3A_171 : vector<256x1xi32> to vector<256x4096xi32>
    %eq3A_173 = arith.cmpi eq, %iota3A, %eq3A_172 : vector<256x4096xi32>
    %jit3A_174 = arith.constant 0x7F800000 : f32
    %broadcast_in_dim3A_175 = vector.broadcast %jit3A_174 : f32 to vector<256x4096xf32>
    %select_n3A_176 = arith.select %eq3A_173, %broadcast_in_dim3A_175, %select_n3A_160 : vector<256x4096xi1>, vector<256x4096xf32>
    %reduce_min3A_177 = arith.constant dense<0x7F800000> : vector<256xf32>
    %reduce_min3A_178 = vector.multi_reduction <minimumf>, %select_n3A_176, %reduce_min3A_177 [1] : vector<256x4096xf32> to vector<256xf32>
    %broadcast_in_dim3A_179 = vector.shape_cast %reduce_min3A_178 : vector<256xf32> to vector<256x1xf32>
    %eq3A_180 = vector.broadcast %broadcast_in_dim3A_179 : vector<256x1xf32> to vector<256x4096xf32>
    %eq3A_181 = arith.cmpf oeq, %select_n3A_176, %eq3A_180 : vector<256x4096xf32>
    %jit3A_182 = arith.constant 4096 : i32
    %broadcast_in_dim3A_183 = vector.broadcast %jit3A_182 : i32 to vector<256x4096xi32>
    %select_n3A_184 = arith.select %eq3A_181, %iota3A, %broadcast_in_dim3A_183 : vector<256x4096xi1>, vector<256x4096xi32>
    %reduce_min3A_185 = arith.constant dense<2147483647> : vector<256xi32>
    %reduce_min3A_186 = vector.multi_reduction <minsi>, %select_n3A_184, %reduce_min3A_185 [1] : vector<256x4096xi32> to vector<256xi32>
    %broadcast_in_dim3A_187 = vector.shape_cast %reduce_min3A_186 : vector<256xi32> to vector<256x1xi32>
    %eq3A_188 = vector.broadcast %broadcast_in_dim3A_187 : vector<256x1xi32> to vector<256x4096xi32>
    %eq3A_189 = arith.cmpi eq, %iota3A, %eq3A_188 : vector<256x4096xi32>
    %jit3A_190 = arith.constant 0x7F800000 : f32
    %broadcast_in_dim3A_191 = vector.broadcast %jit3A_190 : f32 to vector<256x4096xf32>
    %select_n3A_192 = arith.select %eq3A_189, %broadcast_in_dim3A_191, %select_n3A_176 : vector<256x4096xi1>, vector<256x4096xf32>
    %reduce_min3A_193 = arith.constant dense<0x7F800000> : vector<256xf32>
    %reduce_min3A_194 = vector.multi_reduction <minimumf>, %select_n3A_192, %reduce_min3A_193 [1] : vector<256x4096xf32> to vector<256xf32>
    %broadcast_in_dim3A_195 = vector.shape_cast %reduce_min3A_194 : vector<256xf32> to vector<256x1xf32>
    %eq3A_196 = vector.broadcast %broadcast_in_dim3A_195 : vector<256x1xf32> to vector<256x4096xf32>
    %eq3A_197 = arith.cmpf oeq, %select_n3A_192, %eq3A_196 : vector<256x4096xf32>
    %jit3A_198 = arith.constant 4096 : i32
    %broadcast_in_dim3A_199 = vector.broadcast %jit3A_198 : i32 to vector<256x4096xi32>
    %select_n3A_200 = arith.select %eq3A_197, %iota3A, %broadcast_in_dim3A_199 : vector<256x4096xi1>, vector<256x4096xi32>
    %reduce_min3A_201 = arith.constant dense<2147483647> : vector<256xi32>
    %reduce_min3A_202 = vector.multi_reduction <minsi>, %select_n3A_200, %reduce_min3A_201 [1] : vector<256x4096xi32> to vector<256xi32>
    %broadcast_in_dim3A_203 = vector.shape_cast %reduce_min3A_202 : vector<256xi32> to vector<256x1xi32>
    %eq3A_204 = vector.broadcast %broadcast_in_dim3A_203 : vector<256x1xi32> to vector<256x4096xi32>
    %eq3A_205 = arith.cmpi eq, %iota3A, %eq3A_204 : vector<256x4096xi32>
    %jit3A_206 = arith.constant 0x7F800000 : f32
    %broadcast_in_dim3A_207 = vector.broadcast %jit3A_206 : f32 to vector<256x4096xf32>
    %select_n3A_208 = arith.select %eq3A_205, %broadcast_in_dim3A_207, %select_n3A_192 : vector<256x4096xi1>, vector<256x4096xf32>
    %reduce_min3A_209 = arith.constant dense<0x7F800000> : vector<256xf32>
    %reduce_min3A_210 = vector.multi_reduction <minimumf>, %select_n3A_208, %reduce_min3A_209 [1] : vector<256x4096xf32> to vector<256xf32>
    %broadcast_in_dim3A_211 = vector.shape_cast %reduce_min3A_210 : vector<256xf32> to vector<256x1xf32>
    %eq3A_212 = vector.broadcast %broadcast_in_dim3A_211 : vector<256x1xf32> to vector<256x4096xf32>
    %eq3A_213 = arith.cmpf oeq, %select_n3A_208, %eq3A_212 : vector<256x4096xf32>
    %jit3A_214 = arith.constant 4096 : i32
    %broadcast_in_dim3A_215 = vector.broadcast %jit3A_214 : i32 to vector<256x4096xi32>
    %select_n3A_216 = arith.select %eq3A_213, %iota3A, %broadcast_in_dim3A_215 : vector<256x4096xi1>, vector<256x4096xi32>
    %reduce_min3A_217 = arith.constant dense<2147483647> : vector<256xi32>
    %reduce_min3A_218 = vector.multi_reduction <minsi>, %select_n3A_216, %reduce_min3A_217 [1] : vector<256x4096xi32> to vector<256xi32>
    %broadcast_in_dim3A_219 = vector.shape_cast %reduce_min3A_218 : vector<256xi32> to vector<256x1xi32>
    %eq3A_220 = vector.broadcast %broadcast_in_dim3A_219 : vector<256x1xi32> to vector<256x4096xi32>
    %eq3A_221 = arith.cmpi eq, %iota3A, %eq3A_220 : vector<256x4096xi32>
    %jit3A_222 = arith.constant 0x7F800000 : f32
    %broadcast_in_dim3A_223 = vector.broadcast %jit3A_222 : f32 to vector<256x4096xf32>
    %select_n3A_224 = arith.select %eq3A_221, %broadcast_in_dim3A_223, %select_n3A_208 : vector<256x4096xi1>, vector<256x4096xf32>
    %reduce_min3A_225 = arith.constant dense<0x7F800000> : vector<256xf32>
    %reduce_min3A_226 = vector.multi_reduction <minimumf>, %select_n3A_224, %reduce_min3A_225 [1] : vector<256x4096xf32> to vector<256xf32>
    %broadcast_in_dim3A_227 = vector.shape_cast %reduce_min3A_226 : vector<256xf32> to vector<256x1xf32>
    %eq3A_228 = vector.broadcast %broadcast_in_dim3A_227 : vector<256x1xf32> to vector<256x4096xf32>
    %eq3A_229 = arith.cmpf oeq, %select_n3A_224, %eq3A_228 : vector<256x4096xf32>
    %jit3A_230 = arith.constant 4096 : i32
    %broadcast_in_dim3A_231 = vector.broadcast %jit3A_230 : i32 to vector<256x4096xi32>
    %select_n3A_232 = arith.select %eq3A_229, %iota3A, %broadcast_in_dim3A_231 : vector<256x4096xi1>, vector<256x4096xi32>
    %reduce_min3A_233 = arith.constant dense<2147483647> : vector<256xi32>
    %reduce_min3A_234 = vector.multi_reduction <minsi>, %select_n3A_232, %reduce_min3A_233 [1] : vector<256x4096xi32> to vector<256xi32>
    %broadcast_in_dim3A_235 = vector.shape_cast %reduce_min3A_234 : vector<256xi32> to vector<256x1xi32>
    %eq3A_236 = vector.broadcast %broadcast_in_dim3A_235 : vector<256x1xi32> to vector<256x4096xi32>
    %eq3A_237 = arith.cmpi eq, %iota3A, %eq3A_236 : vector<256x4096xi32>
    %jit3A_238 = arith.constant 0x7F800000 : f32
    %broadcast_in_dim3A_239 = vector.broadcast %jit3A_238 : f32 to vector<256x4096xf32>
    %select_n3A_240 = arith.select %eq3A_237, %broadcast_in_dim3A_239, %select_n3A_224 : vector<256x4096xi1>, vector<256x4096xf32>
    %reduce_min3A_241 = arith.constant dense<0x7F800000> : vector<256xf32>
    %reduce_min3A_242 = vector.multi_reduction <minimumf>, %select_n3A_240, %reduce_min3A_241 [1] : vector<256x4096xf32> to vector<256xf32>
    %broadcast_in_dim3A_243 = vector.shape_cast %reduce_min3A_242 : vector<256xf32> to vector<256x1xf32>
    %eq3A_244 = vector.broadcast %broadcast_in_dim3A_243 : vector<256x1xf32> to vector<256x4096xf32>
    %eq3A_245 = arith.cmpf oeq, %select_n3A_240, %eq3A_244 : vector<256x4096xf32>
    %jit3A_246 = arith.constant 4096 : i32
    %broadcast_in_dim3A_247 = vector.broadcast %jit3A_246 : i32 to vector<256x4096xi32>
    %select_n3A_248 = arith.select %eq3A_245, %iota3A, %broadcast_in_dim3A_247 : vector<256x4096xi1>, vector<256x4096xi32>
    %reduce_min3A_249 = arith.constant dense<2147483647> : vector<256xi32>
    %reduce_min3A_250 = vector.multi_reduction <minsi>, %select_n3A_248, %reduce_min3A_249 [1] : vector<256x4096xi32> to vector<256xi32>
    %broadcast_in_dim3A_251 = vector.shape_cast %reduce_min3A_250 : vector<256xi32> to vector<256x1xi32>
    %eq3A_252 = vector.broadcast %broadcast_in_dim3A_251 : vector<256x1xi32> to vector<256x4096xi32>
    %eq3A_253 = arith.cmpi eq, %iota3A, %eq3A_252 : vector<256x4096xi32>
    %jit3A_254 = arith.constant 0x7F800000 : f32
    %broadcast_in_dim3A_255 = vector.broadcast %jit3A_254 : f32 to vector<256x4096xf32>
    %select_n3A_256 = arith.select %eq3A_253, %broadcast_in_dim3A_255, %select_n3A_240 : vector<256x4096xi1>, vector<256x4096xf32>
    %reduce_min3A_257 = arith.constant dense<0x7F800000> : vector<256xf32>
    %reduce_min3A_258 = vector.multi_reduction <minimumf>, %select_n3A_256, %reduce_min3A_257 [1] : vector<256x4096xf32> to vector<256xf32>
    %broadcast_in_dim3A_259 = vector.shape_cast %reduce_min3A_258 : vector<256xf32> to vector<256x1xf32>
    %eq3A_260 = vector.broadcast %broadcast_in_dim3A_259 : vector<256x1xf32> to vector<256x4096xf32>
    %eq3A_261 = arith.cmpf oeq, %select_n3A_256, %eq3A_260 : vector<256x4096xf32>
    %jit3A_262 = arith.constant 4096 : i32
    %broadcast_in_dim3A_263 = vector.broadcast %jit3A_262 : i32 to vector<256x4096xi32>
    %select_n3A_264 = arith.select %eq3A_261, %iota3A, %broadcast_in_dim3A_263 : vector<256x4096xi1>, vector<256x4096xi32>
    %reduce_min3A_265 = arith.constant dense<2147483647> : vector<256xi32>
    %reduce_min3A_266 = vector.multi_reduction <minsi>, %select_n3A_264, %reduce_min3A_265 [1] : vector<256x4096xi32> to vector<256xi32>
    %broadcast_in_dim3A_267 = vector.shape_cast %reduce_min3A_266 : vector<256xi32> to vector<256x1xi32>
    %concatenate3A = tpu.concatenate %broadcast_in_dim3A_22, %broadcast_in_dim3A_35, %broadcast_in_dim3A_51, %broadcast_in_dim3A_67, %broadcast_in_dim3A_83, %broadcast_in_dim3A_99, %broadcast_in_dim3A_115, %broadcast_in_dim3A_131, %broadcast_in_dim3A_147, %broadcast_in_dim3A_163, %broadcast_in_dim3A_179, %broadcast_in_dim3A_195, %broadcast_in_dim3A_211, %broadcast_in_dim3A_227, %broadcast_in_dim3A_243, %broadcast_in_dim3A_259 in 1 : vector<256x1xf32>, vector<256x1xf32>, vector<256x1xf32>, vector<256x1xf32>, vector<256x1xf32>, vector<256x1xf32>, vector<256x1xf32>, vector<256x1xf32>, vector<256x1xf32>, vector<256x1xf32>, vector<256x1xf32>, vector<256x1xf32>, vector<256x1xf32>, vector<256x1xf32>, vector<256x1xf32>, vector<256x1xf32> -> vector<256x16xf32>
    %swap3A = arith.constant 0 : index
    %swap3A_268 = arith.constant 0 : index
    %swap3A_269 = vector.load %arg5[%swap3A, %swap3A_268] : memref<256x16xf32, #tpu.memory_space<vmem>>, vector<256x16xf32>
    tpu.vector_store %arg5[%swap3A, %swap3A_268], %concatenate3A {strides = array<i32>} : memref<256x16xf32, #tpu.memory_space<vmem>>, vector<256x16xf32>,
    %concatenate3A_270 = tpu.concatenate %broadcast_in_dim3A_27, %broadcast_in_dim3A_43, %broadcast_in_dim3A_59, %broadcast_in_dim3A_75, %broadcast_in_dim3A_91, %broadcast_in_dim3A_107, %broadcast_in_dim3A_123, %broadcast_in_dim3A_139, %broadcast_in_dim3A_155, %broadcast_in_dim3A_171, %broadcast_in_dim3A_187, %broadcast_in_dim3A_203, %broadcast_in_dim3A_219, %broadcast_in_dim3A_235, %broadcast_in_dim3A_251, %broadcast_in_dim3A_267 in 1 : vector<256x1xi32>, vector<256x1xi32>, vector<256x1xi32>, vector<256x1xi32>, vector<256x1xi32>, vector<256x1xi32>, vector<256x1xi32>, vector<256x1xi32>, vector<256x1xi32>, vector<256x1xi32>, vector<256x1xi32>, vector<256x1xi32>, vector<256x1xi32>, vector<256x1xi32>, vector<256x1xi32>, vector<256x1xi32> -> vector<256x16xi32>
    %swap3A_271 = arith.constant 0 : index
    %swap3A_272 = arith.constant 0 : index
    %swap3A_273 = vector.load %arg6[%swap3A_271, %swap3A_272] : memref<256x16xi32, #tpu.memory_space<vmem>>, vector<256x16xi32>
    tpu.vector_store %arg6[%swap3A_271, %swap3A_272], %concatenate3A_270 {strides = array<i32>} : memref<256x16xi32, #tpu.memory_space<vmem>>, vector<256x16xi32>,
    return
  }
  func.func @transform_0(%arg0: i32) -> (i32, i32) {
    %c0_i32 = arith.constant 0 : i32
    %c0_i32_0 = arith.constant 0 : i32
    return %arg0, %c0_i32 : i32, i32
  }
  func.func @transform_1(%arg0: i32) -> (i32, i32) {
    %c0_i32 = arith.constant 0 : i32
    %c0_i32_0 = arith.constant 0 : i32
    return %c0_i32, %arg0 : i32, i32
  }
  func.func @transform_2(%arg0: i32) -> (i32, i32) {
    %c0_i32 = arith.constant 0 : i32
    %c0_i32_0 = arith.constant 0 : i32
    %c0_i32_1 = arith.constant 0 : i32
    return %c0_i32, %c0_i32_0 : i32, i32
  }
  func.func @transform_3(%arg0: i32) -> (i32, i32) {
    %c0_i32 = arith.constant 0 : i32
    %c0_i32_0 = arith.constant 0 : i32
    %c0_i32_1 = arith.constant 0 : i32
    return %c0_i32, %c0_i32_0 : i32, i32
  }
  func.func @transform_4(%arg0: i32) -> (i32, i32) {
    %c0_i32 = arith.constant 0 : i32
    %c0_i32_0 = arith.constant 0 : i32
    return %arg0, %c0_i32 : i32, i32
  }
  func.func @transform_5(%arg0: i32) -> (i32, i32) {
    %c0_i32 = arith.constant 0 : i32
    %c0_i32_0 = arith.constant 0 : i32
    return %arg0, %c0_i32 : i32, i32
  }
}

</mosaic_0001>

<sc_bundles>
// kernel: gather_offload_async_start.1
scs
__scs_entry_jumppad:
0x0: {  	(pc) =	sbr.rel $0x88, $3  }
0x1: {  	(tag) =	ssettag $0x0;
	lr =	simm.s32 $0x1  }
0x2: {  	[smem:$0x3FA0] =	sst lr;
	_ =	strace $0xD0000000  }
0x3: {  	_ = 	snop  }
0x4: {  	_ = 	snop  }
0x5: {  	_ = 	snop  }
0x6: {  	_ = 	snop  }
0x7: {  	_ = 	snop  }
__scs_overlays_trampoline_lowered:
0x8: {  	[smem:$0x3FAF] =	sst s0  }
0x9: {  	[smem:$0x3FB0] =	sst s1  }
0xa: {  	[smem:$0x3FB1] =	sst s2  }
0xb: {  	[smem:$0x3FB2] =	sst s3  }
0xc: {  	[smem:$0x3FB3] =	sst s4  }
0xd: {  	[smem:$0x3FB4] =	sst s5  }
0xe: {  	[smem:$0x3FB5] =	sst s6  }
0xf: {  	[smem:$0x3FB6] =	sst s7  }
0x10: {  	[smem:$0x3FB7] =	sst s8  }
0x11: {  	[smem:$0x3FB8] =	sst s9;
	s0 =	simm.s32 @!p0 $0x0  }
0x12: {  	s1 =	sld [smem:$0x3F9E];
	s0 =	simm.s32 @p0 $0x1  }
0x13: {  	[smem:$0x3FB9] =	sst s0;
	s0 =	simm.s32 @!p1 $0x0  }
0x14: {  	s2 =	sld [smem:$0x3F9D];
	s0 =	simm.s32 @p1 $0x1  }
0x15: {  	[smem:$0x3FBA] =	sst s0;
	s0 =	simm.s32 @!p2 $0x0  }
0x16: {  	s3 =	sld [smem:$0x3FDB];
	s0 =	simm.s32 @p2 $0x1  }
0x17: {  	s4 =	simm.s32 $0x1BF5;
	[smem:$0x3FBC] =	sst s0  }
0x18: {  	s0 =	sld [smem:$0x3F9F];
	_ =	swait.ge [sflag:s4], $0x0  }
0x19: {  	s7 =	sld [smem:$0x3FA0]  }
0x1a: {  	s8 =	sadd.s32 $0xFFFFE003, lr  }
0x1b: {  	s9 =	sadd.s32 $0xFFFFFEF7, lr;
	s5 =	simm.s32 $0xFFFFFFFF;
	p2 =	slt.u32 s8, $0xFFFFF086  }
0x1c: {  	p1 =	slt.u32 s9, $0xF7A;
	s5 =	simm.s32 @!p2 $0x0  }
0x1d: {  	s5 =	simm.s32 @p1 $0x1;
	p0 =	seq.s32 s7, s2  }
0x1e: {  	s7 =	smul.u32 @!p0 $0xF7A, s2;
	p2 =	seq.s32 @!p0 s5, $0x0  }
0x1f: {  	s9 =	smul.u32 $0xF7A, s1;
	s8 =	simm.s32 @!p0 $0x1BF5;
	p2 =	por !p2, p0  }
0x20: {  	[sflag:s8] =	ssyncset.s32 @!p0 $0xFFFFF086;
	s6 =	sadd.s32 @!p0 s3, s7;
	s7 =	simm.s32 @!p0 $0x108  }
0x21: {  	s3 =	sadd.s32 s3, s9;
	s6 =	sadd.s32 @!p0 $0x88, s6;
	s7 =	simm.s32 @p2 $0x1082  }
0x22: {  	[simem:s7], [sflag:s8] =	dma.local @!p0 [hbm:s6], $0xF7A  }
0x23: {  	s9 =	sor.u32 $0xD0000000, s2;
	s6 =	simm.s32 $0x108;
	_ =	swait.ge @!p0 [sflag:s8], $0x0  }
0x24: {  	s3 =	sadd.s32 $0x88, s3;
	s6 =	simm.s32 @!p1 $0x1082;
	[sflag:s4] =	ssyncset.s32 $0xFFFFF086  }
0x25: {  	[simem:s6], [sflag:s4] =	dma.local [hbm:s3], $0xF7A  }
0x26: {  	[smem:$0x3FA0] =	sst s1;
	(tag) =	ssettag s2;
	_ =	strace s9  }
0x27: {  	s1 =	sld [smem:$0x3FB0]  }
0x28: {  	s2 =	sld [smem:$0x3FB1]  }
0x29: {  	s4 =	sld [smem:$0x3FB3]  }
0x2a: {  	p0 =	seq.s32 s5, $0x0;
	s5 =	sld [smem:$0x3FB4]  }
0x2b: {  	s6 =	sld [smem:$0x3FB5]  }
0x2c: {  	s7 =	sld [smem:$0x3FB6]  }
0x2d: {  	s3 =	simm.s32 $0x108;
	s8 =	sld [smem:$0x3FB7]  }
0x2e: {  	s3 =	simm.s32 @!p0 $0x1082;
	s9 =	sld [smem:$0x3FB8]  }
0x2f: {  	lr =	sadd.s32 s0, s3;
	s0 =	sld [smem:$0x3FAF]  }
0x30: {  	s3 =	sld [smem:$0x3FB2]  }
0x31: {  	[smem:$0x3FBB] =	sst s10  }
0x32: {  	s10 =	sld [smem:$0x3FB9];
	_ =	sdelay $0x3  }
0x33: {  	p0 =	seq.s32 s10, $0x1;
	s10 =	sld [smem:$0x3FBB];
	_ =	sdelay $0x3  }
0x34: {  	[smem:$0x3FBB] =	sst s10  }
0x35: {  	s10 =	sld [smem:$0x3FBA];
	_ =	sdelay $0x3  }
0x36: {  	p1 =	seq.s32 s10, $0x1;
	s10 =	sld [smem:$0x3FBB];
	_ =	sdelay $0x3  }
0x37: {  	[smem:$0x3FBB] =	sst s10  }
0x38: {  	s10 =	sld [smem:$0x3FBC]  }
0x39: {  	_ = 	snop;
	(pc) =	sbr.ind lr, $3  }
0x3a: {  	_ = 	snop  }
0x3b: {  	_ = 	snop  }
0x3c: {  	p2 =	seq.s32 s10, $0x1;
	s10 =	sld [smem:$0x3FBB]  }
0x3d: {  	_ =	shalt  }
0x3e: {  	_ =	shalt  }
0x3f: {  	_ =	shalt  }
0x40: {  	_ =	shalt  }
0x41: {  	_ =	shalt  }
0x42: {  	_ =	shalt  }
0x43: {  	_ =	shalt  }
0x44: {  	_ =	shalt  }
0x45: {  	_ =	shalt  }
0x46: {  	_ =	shalt  }
0x47: {  	_ =	shalt  }
0x48: {  	_ =	shalt  }
0x49: {  	_ =	shalt  }
0x4a: {  	_ =	shalt  }
0x4b: {  	_ =	shalt  }
0x4c: {  	_ =	shalt  }
0x4d: {  	_ =	shalt  }
0x4e: {  	_ =	shalt  }
0x4f: {  	_ =	shalt  }
0x50: {  	_ =	shalt  }
0x51: {  	_ =	shalt  }
0x52: {  	_ =	shalt  }
0x53: {  	_ =	shalt  }
0x54: {  	_ =	shalt  }
0x55: {  	_ =	shalt  }
0x56: {  	_ =	shalt  }
0x57: {  	_ =	shalt  }
0x58: {  	_ =	shalt  }
0x59: {  	_ =	shalt  }
0x5a: {  	_ =	shalt  }
0x5b: {  	_ =	shalt  }
0x5c: {  	_ =	shalt  }
0x5d: {  	_ =	shalt  }
0x5e: {  	_ =	shalt  }
0x5f: {  	_ =	shalt  }
0x60: {  	_ =	shalt  }
0x61: {  	_ =	shalt  }
0x62: {  	_ =	shalt  }
0x63: {  	_ =	shalt  }
0x64: {  	_ =	shalt  }
0x65: {  	_ =	shalt  }
0x66: {  	_ =	shalt  }
0x67: {  	_ =	shalt  }
0x68: {  	_ =	shalt  }
0x69: {  	_ =	shalt  }
0x6a: {  	_ =	shalt  }
0x6b: {  	_ =	shalt  }
0x6c: {  	_ =	shalt  }
0x6d: {  	_ =	shalt  }
0x6e: {  	_ =	shalt  }
0x6f: {  	_ =	shalt  }
0x70: {  	_ =	shalt  }
0x71: {  	_ =	shalt  }
0x72: {  	_ =	shalt  }
0x73: {  	_ =	shalt  }
0x74: {  	_ =	shalt  }
0x75: {  	_ =	shalt  }
0x76: {  	_ =	shalt  }
0x77: {  	_ =	shalt  }
0x78: {  	_ =	shalt  }
0x79: {  	_ =	shalt  }
0x7a: {  	_ =	shalt  }
0x7b: {  	_ =	shalt  }
0x7c: {  	_ =	shalt  }
0x7d: {  	_ =	shalt  }
0x7e: {  	_ =	shalt  }
0x7f: {  	_ =	shalt  }
0x80: {  	_ =	shalt  }
0x81: {  	_ =	shalt  }
0x82: {  	_ =	shalt  }
0x83: {  	_ =	shalt  }
0x84: {  	_ =	shalt  }
0x85: {  	_ =	shalt  }
0x86: {  	_ =	shalt  }
0x87: {  	_ =	shalt  }
.Lfunc_end0:
.L_simem_size_0:
called_computation.1_lowered:
.L_overlay_start_0:
0x88: {  	s2 =	sld [smem:$0x3FD9]  }
0x89: {  	s3 =	sld [smem:$0x3FFE];
	_ =	sdelay $0x1  }
0x8a: {  	s1 =	srdreg.scid  }
0x8b: {  	s0 =	sand.u32 $0x1, s1  }
0x8c: {  	s16 =	sshll.u32 s0, $0xA;
	s2 =	sadd.s32 s3, s2  }
0x8d: {  	s2 =	sadd.s32 s2, s16  }
0x8e: {  	[smem:$0x3FC7] =	sst s2  }
0x8f: {  	_ = 	snop  }
0x90: {  	(tm) =	ssettm $0x1  }
0x91: {  	s17 =	sld [smem:$0x3FFB];
	_ =	sdelay $0x3  }
0x92: {  	_ =	strace s17  }
0x93: {  	s2 =	sld [smem:$0x3FFC];
	_ =	sdelay $0x3  }
0x94: {  	_ =	strace s2  }
0x95: {  	s2 =	sld [smem:$0x3FFD];
	_ =	sdelay $0x3  }
0x96: {  	_ =	strace s2  }
0x97: {  	_ =	strace $0x8FFFFFFF  }
0x98: {  	s18 =	sld [smem:$0x3FDB];
	_ =	sdelay $0x1  }
0x99: {  	s19 =	simm.s32 $_scs_section_size  }
0x9a: {  	s4 =	simm.s32 $_size__tile_overlayer_lowered;
	s5 =	simm.s32 $_tile_overlayer_lowered  }
0x9b: {  	s22 =	simm.s32 $0x1BFF;
	s21 =	sshll.u32 s5, $0x1;
	s2 =	sadd.s32 s19, s18  }
0x9c: {  	s6 =	simm.s32 $0x0;
	s20 =	sshll.u32 s4, $0x1;
	s4 =	sadd.s32 s21, s2  }
0x9d: {  	[timem:s6], [sflag:s22] =	dma.local [hbm:s4], s20  }
0x9e: {  	_ =	swait.ge [sflag:s22], s20  }
0x9f: {  	s3 =	ssub.s32 $0x0, s20;
	[sflag:s22] =	ssyncset.done $0x0  }
0xa0: {  	[sflag:s22] =	ssyncadd.s32 s3;
	_ =	sdelay $0x1  }
0xa1: {  	s23 =	simm.s32 $0x1B8B  }
0xa2: {  	_ =	swait.ge [sflag:s23], $0x1  }
0xa3: {  	[sflag:s23] =	ssyncset.done $0x0  }
0xa4: {  	s25 =	simm.s32 $0x1B8E;
	s24 =	sld [smem:$0x3FFE];
	[sflag:s23] =	ssyncadd.s32 $0xFFFFFFFF  }
0xa5: {  	s26 =	simm.s32 $execute0_lowered;
	[smem:$0x3FD2] =	sst s25  }
0xa6: {  	s4 =	sshll.u32 s26, $0x1;
	_ =	strace $0x80000046;
	[dreg:$0x1] =	wrdreg $0xFFFFFFFF  }
0xa7: {  	s28 =	simm.s32 $_size_execute0_lowered;
	s2 =	sadd.s32 s2, s4;
	[dreg:$0x0] =	wrdreg $0x0  }
0xa8: {  	s4 =	sshll.u32 s28, $0x1;
	[dreg:$0x2] =	wrdreg s2  }
0xa9: {  	[dreg:$0x3] =	wrdreg s4  }
0xaa: {  	[dreg:$0x4] =	wrdreg $0xC0  }
0xab: {  	_ =	task [dreg:s6], $0x5FFFF  }
0xac: {  	[dreg:$0x1] =	wrdreg $0xFFFFFFFF  }
0xad: {  	[dreg:$0x0] =	wrdreg $0x60  }
0xae: {  	[dreg:$0x2] =	wrdreg s24  }
0xaf: {  	[dreg:$0x3] =	wrdreg $0x9  }
0xb0: {  	_ =	task.clear_ibuf [dreg:s6], $0x4FFFF;
	_ =	strace $0x90000046  }
0xb1: {  	s29 =	simm.s32 $0x9;
	_ =	strace $0x80000048  }
0xb2: {  	_ =	swait.ge [sflag:s29], $0x1  }
0xb3: {  	[sflag:s29] =	ssyncadd.s32 $0xFFFFFFFF  }
0xb4: {  	_ =	strace $0x90000048  }
0xb5: {  	_ =	sfence  }
0xb6: {  	s30 =	sld [smem:$0x0];
	_ =	sdelay $0x2  }
0xb7: {  	s31 =	sshll.u32 s1, $0xD;
	s1 =	sshrl.u32 s1, $0x2  }
0xb8: {  	s3 =	sand.u32 $0x4000, s31;
	s1 =	sadd.s32 s1, s30  }
0xb9: {  	s0 =	sor.u32 s3, s0;
	s1 =	sshll.u32 s1, $0x11  }
0xba: {  	s0 =	sor.u32 s1, s0  }
0xbb: {  	s0 =	sadd.s32 $0x8F2B, s0  }
0xbc: {  	[sflag:s0] =	ssyncadd.remote.s32 $0x1  }
0xbd: {  	_ =	sfence.sel $0xFFFF  }
0xbe: {  	[dreg:$0x0] =	wrdreg $0xFFFFFFFF;
	(pc) =	sbr.abs _section_cstart, $3  }
0xbf: {  	[dreg:$0x1] =	wrdreg $0xFFFFFFFF  }
0xc0: {  	_ =	task.clear_ibuf [dreg:s6], $0x2FFFF;
	_ =	strace $0x9FFFFFFF  }
0xc1: {  	(tm) =	ssettm $0x7FFFFFFF  }
tec
execute0_lowered:
.L_overlay_start_1:
0x0: {  	(tag) =	ssettag $0x1  }
0x1: {  	s2 =	rddreg [dreg:$0x0]  }
0x2: {  	s0 =	rddreg [dreg:$0x1]  }
0x3: {  	s1 =	srdreg.scid;
	_ =	strace $0x80000047;
	s4 =	simm.s32 $0x1  }
0x4: {  	s9 =	simm.s32 $0x3;
	s12 =	simm.s32 $0x0;
	s5 =	sshll.u32 s1, $0x4  }
.Ltmp0:
0x5: {  	s1 =	stileid.u32;
	s5 =	sand.u32 $0x10, s5;
	(pc) =	sbr.rel .LBB2_1-.Ltmp0, $4  }
0x6: {  	s10 =	simm.s32 $0x0;
	s3 =	sadd.s32 $0x10000, s2;
	s6 =	sor.u32 s1, s5  }
0x7: {  	[sflag:s4] =	ssyncpa.u1 $0x0;
	s5 =	simm.s32 $0x2;
	s6 =	sshll.u32 s6, $0x7  }
0x8: {  	s7 =	sadd.s32 $0x10200, s2;
	[sflag:s5] =	ssyncpa.u1 $0x0;
	s8 =	sadd.s32 $0x80, s6  }
0x9: {  	vm0 =	vmmov $0xff;
	vm1 =	vcmask $0x3F20;
	[sflag:s9] =	ssyncpa.u1 $0x0;
	s9 =	simm.s32 $0x80;
	s11 =	smov.u32 s6  }
.LBB2_9:
0xa: {  	p0 =	seq.s32 s10, $0x2  }
.Ltmp1:
0xb: {  	_ = 	snop;
	(pc) =	sbr.rel @p0 .LBB2_11-.Ltmp1, $1  }
0xc: {  	_ =	sdelay $0x3  }
.LBB2_10:
0xd: {  	s12 =	sadd.s32 $0x80, s11  }
0xe: {  	s13 =	smov.u32 s6;
	p0 =	slt.s32 s12, s8  }
0xf: {  	s13 =	smov.u32 @p0 s12  }
0x10: {  	s10 =	sadd.s32 $0x1, s10;
	s12 =	smov.u32 s11;
	s11 =	smov.u32 s13  }
.LBB2_1:
0x11: {  	p0 =	sne.s32 s10, $0x0  }
.Ltmp2:
0x12: {  	_ = 	snop;
	(pc) =	sbr.rel @!p0 .LBB2_2-.Ltmp2, $1  }
0x13: {  	_ =	sdelay $0x3  }
0x14: {  	s13 =	sand.u32 $0x1, s10  }
0x15: {  	p0 =	seq.s32 s13, $0x0  }
.Ltmp3:
0x16: {  	_ = 	snop;
	(pc) =	sbr.rel @p0 .LBB2_9-.Ltmp3, $1  }
0x17: {  	_ =	sdelay $0x3  }
0x18: {  	_ =	swait.ge [sflag:s5], $0x80  }
0x19: {  	[sflag:s5] =	ssyncset.done $0x0  }
0x1a: {  	s13 =	simm.s32 $0x0;
	[sflag:s5] =	ssyncadd.s32 $0xFFFFFF80  }
0x1b: {  	v0 =	vld.msk [tilespmem:s13+$0x80 ss:$0x1], $0xffff;
	_ =	sdelay $0x4  }
0x1c: {  	vm2 =	vgt.s32 v0, $0x0  }
0x1d: {  	v0 =	vnsel vm2, $0x0, v0  }
0x1e: {  	v0 =	vmin.u32 v0, $0xFFF  }
0x1f: {  	v0 =	vshll.u32 v0, $0x4;
	_ =	sdelay $0x3  }
0x20: {  	s13 =	simm.s32 $0x4100  }
0x21: {  	[tilespmem:s13], [sflag:$0x1] =	stream.indirect_vreg.gather [hbm:s2], $0x80, v0, vm0, $0x38;
	[tilespmem:$0x8100] =	vst v63  }
0x22: {  	s14 =	simm.s32 $0x4500;
	s31 =	simm.s32 $0x10  }
0x23: {  	[tilespmem:s14], [sflag:$0x1] =	stream.indirect_vreg.gather [hbm:s2], $0x80, v0, vm1, $0x38;
	[tilespmem:$0x8100] =	vst v63  }
0x24: {  	s14 =	simm.s32 $0x80;
	v0 =	vld.msk [tilespmem:s31+$0x80 ss:$0x1], $0xffff  }
.LBB2_5:
0x25: {  	p0 =	sne.s32 s14, $0x1C0;
	_ =	sdelay $0x4  }
0x26: {  	vm2 =	vgt.s32 v0, $0x0  }
0x27: {  	v0 =	vnsel vm2, $0x0, v0  }
0x28: {  	v0 =	vmin.u32 v0, $0xFFF  }
0x29: {  	v0 =	vshll.u32 v0, $0x4;
	_ =	sdelay $0x3  }
.Ltmp4:
0x2a: {  	s13 =	sadd.s32 $0x800, s13;
	(pc) =	sbr.rel @p0 .LBB2_5-.Ltmp4, $4  }
0x2b: {  	[tilespmem:s13], [sflag:$0x1] =	stream.indirect_vreg.gather [hbm:s2], $0x80, v0, vm0, $0x38;
	[tilespmem:$0x8100] =	vst v63  }
0x2c: {  	s15 =	sshra.s32 s14, $0x2;
	s16 =	sadd.s32 $0x400, s13  }
0x2d: {  	[tilespmem:s16], [sflag:$0x1] =	stream.indirect_vreg.gather [hbm:s2], $0x80, v0, vm1, $0x38;
	[tilespmem:$0x8100] =	vst v63  }
0x2e: {  	s14 =	sadd.s32 $0x40, s14;
	v0 =	vld.msk [tilespmem:s15+$0x80 ss:$0x1], $0xffff  }
0x2f: {  	_ =	sdelay $0x3  }
0x30: {  	vm2 =	vgt.s32 v0, $0x0  }
0x31: {  	v0 =	vnsel vm2, $0x0, v0  }
0x32: {  	v0 =	vmin.u32 v0, $0xFFF  }
0x33: {  	v0 =	vshll.u32 v0, $0x4;
	_ =	sdelay $0x3  }
0x34: {  	s13 =	sadd.s32 $0x800, s13  }
0x35: {  	[tilespmem:s13], [sflag:$0x1] =	stream.indirect_vreg.gather [hbm:s2], $0x80, v0, vm0, $0x38;
	[tilespmem:$0x8100] =	vst v63  }
0x36: {  	s13 =	sadd.s32 $0x400, s13  }
0x37: {  	[tilespmem:s13], [sflag:$0x1] =	stream.indirect_vreg.gather [hbm:s2], $0x80, v0, vm1, $0x38;
	[tilespmem:$0x8100] =	vst v63  }
0x38: {  	s12 =	sshll.u32 s12, $0x4;
	s14 =	simm.s32 $0x80;
	_ =	swait.ge [sflag:s4], $0x4000  }
0x39: {  	s15 =	simm.s32 $0x4500;
	s12 =	sadd.s32 s12, s7;
	[sflag:s4] =	ssyncset.done $0x0  }
0x3a: {  	s16 =	sadd.s32 $0x0, s12;
	s13 =	simm.s32 $0x4100;
	[sflag:s4] =	ssyncadd.s32 $0xFFFFC000  }
.LBB2_7:
0x3b: {  	[hbm:s16] =	stream.linear.scatter [tilespmem:s13], [sflag:$0x3], $0x400, $0x38;
	[tilespmem:$0x8100] =	vst v63  }
0x3c: {  	s16 =	smov.u32 s14;
	s13 =	smov.u32 s15;
	p0 =	sne.s32 s14, $0x780  }
.Ltmp5:
0x3d: {  	s14 =	sadd.s32 $0x80, s14;
	(pc) =	sbr.rel @p0 .LBB2_7-.Ltmp5, $2  }
0x3e: {  	_ =	sdelay $0x2  }
0x3f: {  	s15 =	sadd.s32 $0x400, s15;
	s16 =	sadd.s32 s16, s12  }
.Ltmp6:
0x40: {  	(pc) =	sbr.rel .LBB2_9-.Ltmp6, $2  }
0x41: {  	_ =	sdelay $0x2  }
0x42: {  	[hbm:s16] =	stream.linear.scatter [tilespmem:s13], [sflag:$0x3], $0x400, $0x38;
	[tilespmem:$0x8100] =	vst v63  }
.LBB2_2:
.Ltmp7:
0x43: {  	(pc) =	sbr.rel .LBB2_10-.Ltmp7, $4  }
0x44: {  	_ = 	snop  }
0x45: {  	s12 =	sshrl.u32 s11, $0x3  }
0x46: {  	s13 =	sand.u32 $0x7, s11;
	s12 =	sadd.s32 s3, s12  }
0x47: {  	[tilespmem:s9], [sflag:$0x2] =	stream.linear.gather [hbm4b:s12+s13], $0x80, $0x38;
	[tilespmem:$0x8100] =	vst v63  }
.LBB2_11:
0x48: {  	s2 =	simm.s32 $0x3  }
0x49: {  	_ =	swait.ge [sflag:s2], $0x4000  }
0x4a: {  	[sflag:s2] =	ssyncset.done $0x0  }
0x4b: {  	[sflag:s2] =	ssyncadd.s32 $0xFFFFC000  }
0x4c: {  	_ =	sfence.sel $0x180000  }
0x4d: {  	s3 =	simm.s32 $0x2;
	[bflag:$0x0] =	sbarrier.arrive $0xFFFF  }
0x4e: {  	[sflag:s3] =	ssyncpa.u1 $0x1  }
0x4f: {  	s31 =	simm.s32 $0x1;
	[sflag:s2] =	ssyncpa.u1 $0x1  }
0x50: {  	[sflag:s31] =	ssyncpa.u1 $0x1  }
0x51: {  	p0 =	sne.s32 s1, $0x0;
	_ =	strace $0x90000047  }
0x52: {  	s0 =	sadd.s32 @!p0 $0x100000, s0;
	[bflag:$0x2] =	sbarrier.arrive $0xFFFF  }
0x53: {  	[sflag:s0] =	ssyncadd.tile.s32 @!p0 $0x1;
	_ =	shalt  }
.Lfunc_end2:
_tile_overlayer_lowered:
.L_overlay_start_2:
0x54: {  	(tag) =	ssettag $0x2  }
0x55: {  	s0 =	rddreg [dreg:$0x0];
	s2 =	stileid.u32  }
0x56: {  	s1 =	rddreg [dreg:$0x1];
	p0 =	sne.s32 s2, $0x0  }
0x57: {  	s3 =	rddreg [dreg:$0x2];
	[bflag:$0x3] =	sbarrier.arrive $0xFFFF;
	s2 =	simm.s32 @!p0 $0x1C01  }
0x58: {  	[timem:s3], [sflag:s2] =	dma.local @!p0 [hbm:s0], s1  }
0x59: {  	s0 =	simm.s32 @!p0 $0x1  }
0x5a: {  	_ =	swait.ge @!p0 [sflag:s0], s1  }
0x5b: {  	s1 =	ssub.s32 @!p0 $0x0, s1;
	[sflag:s0] =	ssyncset.done @!p0 $0x0  }
0x5c: {  	[sflag:s0] =	ssyncadd.s32 @!p0 s1  }
0x5d: {  	[bflag:$0x3] =	sbarrier.arrive $0xFFFF  }
0x5e: {  	_ =	shalt  }

// kernel: gather_offload_async_start
scs
__scs_entry_jumppad:
0x0: {  	(pc) =	sbr.rel $0x88, $3  }
0x1: {  	(tag) =	ssettag $0x0;
	lr =	simm.s32 $0x1  }
0x2: {  	[smem:$0x3FA0] =	sst lr;
	_ =	strace $0xD0000000  }
0x3: {  	_ = 	snop  }
0x4: {  	_ = 	snop  }
0x5: {  	_ = 	snop  }
0x6: {  	_ = 	snop  }
0x7: {  	_ = 	snop  }
__scs_overlays_trampoline_lowered:
0x8: {  	[smem:$0x3FAF] =	sst s0  }
0x9: {  	[smem:$0x3FB0] =	sst s1  }
0xa: {  	[smem:$0x3FB1] =	sst s2  }
0xb: {  	[smem:$0x3FB2] =	sst s3  }
0xc: {  	[smem:$0x3FB3] =	sst s4  }
0xd: {  	[smem:$0x3FB4] =	sst s5  }
0xe: {  	[smem:$0x3FB5] =	sst s6  }
0xf: {  	[smem:$0x3FB6] =	sst s7  }
0x10: {  	[smem:$0x3FB7] =	sst s8  }
0x11: {  	[smem:$0x3FB8] =	sst s9;
	s0 =	simm.s32 @!p0 $0x0  }
0x12: {  	s1 =	sld [smem:$0x3F9E];
	s0 =	simm.s32 @p0 $0x1  }
0x13: {  	[smem:$0x3FB9] =	sst s0;
	s0 =	simm.s32 @!p1 $0x0  }
0x14: {  	s2 =	sld [smem:$0x3F9D];
	s0 =	simm.s32 @p1 $0x1  }
0x15: {  	[smem:$0x3FBA] =	sst s0;
	s0 =	simm.s32 @!p2 $0x0  }
0x16: {  	s3 =	sld [smem:$0x3FDB];
	s0 =	simm.s32 @p2 $0x1  }
0x17: {  	s4 =	simm.s32 $0x1BF5;
	[smem:$0x3FBC] =	sst s0  }
0x18: {  	s0 =	sld [smem:$0x3F9F];
	_ =	swait.ge [sflag:s4], $0x0  }
0x19: {  	s7 =	sld [smem:$0x3FA0]  }
0x1a: {  	s8 =	sadd.s32 $0xFFFFE003, lr  }
0x1b: {  	s9 =	sadd.s32 $0xFFFFFEF7, lr;
	s5 =	simm.s32 $0xFFFFFFFF;
	p2 =	slt.u32 s8, $0xFFFFF086  }
0x1c: {  	p1 =	slt.u32 s9, $0xF7A;
	s5 =	simm.s32 @!p2 $0x0  }
0x1d: {  	s5 =	simm.s32 @p1 $0x1;
	p0 =	seq.s32 s7, s2  }
0x1e: {  	s7 =	smul.u32 @!p0 $0xF7A, s2;
	p2 =	seq.s32 @!p0 s5, $0x0  }
0x1f: {  	s9 =	smul.u32 $0xF7A, s1;
	s8 =	simm.s32 @!p0 $0x1BF5;
	p2 =	por !p2, p0  }
0x20: {  	[sflag:s8] =	ssyncset.s32 @!p0 $0xFFFFF086;
	s6 =	sadd.s32 @!p0 s3, s7;
	s7 =	simm.s32 @!p0 $0x108  }
0x21: {  	s3 =	sadd.s32 s3, s9;
	s6 =	sadd.s32 @!p0 $0x88, s6;
	s7 =	simm.s32 @p2 $0x1082  }
0x22: {  	[simem:s7], [sflag:s8] =	dma.local @!p0 [hbm:s6], $0xF7A  }
0x23: {  	s9 =	sor.u32 $0xD0000000, s2;
	s6 =	simm.s32 $0x108;
	_ =	swait.ge @!p0 [sflag:s8], $0x0  }
0x24: {  	s3 =	sadd.s32 $0x88, s3;
	s6 =	simm.s32 @!p1 $0x1082;
	[sflag:s4] =	ssyncset.s32 $0xFFFFF086  }
0x25: {  	[simem:s6], [sflag:s4] =	dma.local [hbm:s3], $0xF7A  }
0x26: {  	[smem:$0x3FA0] =	sst s1;
	(tag) =	ssettag s2;
	_ =	strace s9  }
0x27: {  	s1 =	sld [smem:$0x3FB0]  }
0x28: {  	s2 =	sld [smem:$0x3FB1]  }
0x29: {  	s4 =	sld [smem:$0x3FB3]  }
0x2a: {  	p0 =	seq.s32 s5, $0x0;
	s5 =	sld [smem:$0x3FB4]  }
0x2b: {  	s6 =	sld [smem:$0x3FB5]  }
0x2c: {  	s7 =	sld [smem:$0x3FB6]  }
0x2d: {  	s3 =	simm.s32 $0x108;
	s8 =	sld [smem:$0x3FB7]  }
0x2e: {  	s3 =	simm.s32 @!p0 $0x1082;
	s9 =	sld [smem:$0x3FB8]  }
0x2f: {  	lr =	sadd.s32 s0, s3;
	s0 =	sld [smem:$0x3FAF]  }
0x30: {  	s3 =	sld [smem:$0x3FB2]  }
0x31: {  	[smem:$0x3FBB] =	sst s10  }
0x32: {  	s10 =	sld [smem:$0x3FB9];
	_ =	sdelay $0x3  }
0x33: {  	p0 =	seq.s32 s10, $0x1;
	s10 =	sld [smem:$0x3FBB];
	_ =	sdelay $0x3  }
0x34: {  	[smem:$0x3FBB] =	sst s10  }
0x35: {  	s10 =	sld [smem:$0x3FBA];
	_ =	sdelay $0x3  }
0x36: {  	p1 =	seq.s32 s10, $0x1;
	s10 =	sld [smem:$0x3FBB];
	_ =	sdelay $0x3  }
0x37: {  	[smem:$0x3FBB] =	sst s10  }
0x38: {  	s10 =	sld [smem:$0x3FBC]  }
0x39: {  	_ = 	snop;
	(pc) =	sbr.ind lr, $3  }
0x3a: {  	_ = 	snop  }
0x3b: {  	_ = 	snop  }
0x3c: {  	p2 =	seq.s32 s10, $0x1;
	s10 =	sld [smem:$0x3FBB]  }
0x3d: {  	_ =	shalt  }
0x3e: {  	_ =	shalt  }
0x3f: {  	_ =	shalt  }
0x40: {  	_ =	shalt  }
0x41: {  	_ =	shalt  }
0x42: {  	_ =	shalt  }
0x43: {  	_ =	shalt  }
0x44: {  	_ =	shalt  }
0x45: {  	_ =	shalt  }
0x46: {  	_ =	shalt  }
0x47: {  	_ =	shalt  }
0x48: {  	_ =	shalt  }
0x49: {  	_ =	shalt  }
0x4a: {  	_ =	shalt  }
0x4b: {  	_ =	shalt  }
0x4c: {  	_ =	shalt  }
0x4d: {  	_ =	shalt  }
0x4e: {  	_ =	shalt  }
0x4f: {  	_ =	shalt  }
0x50: {  	_ =	shalt  }
0x51: {  	_ =	shalt  }
0x52: {  	_ =	shalt  }
0x53: {  	_ =	shalt  }
0x54: {  	_ =	shalt  }
0x55: {  	_ =	shalt  }
0x56: {  	_ =	shalt  }
0x57: {  	_ =	shalt  }
0x58: {  	_ =	shalt  }
0x59: {  	_ =	shalt  }
0x5a: {  	_ =	shalt  }
0x5b: {  	_ =	shalt  }
0x5c: {  	_ =	shalt  }
0x5d: {  	_ =	shalt  }
0x5e: {  	_ =	shalt  }
0x5f: {  	_ =	shalt  }
0x60: {  	_ =	shalt  }
0x61: {  	_ =	shalt  }
0x62: {  	_ =	shalt  }
0x63: {  	_ =	shalt  }
0x64: {  	_ =	shalt  }
0x65: {  	_ =	shalt  }
0x66: {  	_ =	shalt  }
0x67: {  	_ =	shalt  }
0x68: {  	_ =	shalt  }
0x69: {  	_ =	shalt  }
0x6a: {  	_ =	shalt  }
0x6b: {  	_ =	shalt  }
0x6c: {  	_ =	shalt  }
0x6d: {  	_ =	shalt  }
0x6e: {  	_ =	shalt  }
0x6f: {  	_ =	shalt  }
0x70: {  	_ =	shalt  }
0x71: {  	_ =	shalt  }
0x72: {  	_ =	shalt  }
0x73: {  	_ =	shalt  }
0x74: {  	_ =	shalt  }
0x75: {  	_ =	shalt  }
0x76: {  	_ =	shalt  }
0x77: {  	_ =	shalt  }
0x78: {  	_ =	shalt  }
0x79: {  	_ =	shalt  }
0x7a: {  	_ =	shalt  }
0x7b: {  	_ =	shalt  }
0x7c: {  	_ =	shalt  }
0x7d: {  	_ =	shalt  }
0x7e: {  	_ =	shalt  }
0x7f: {  	_ =	shalt  }
0x80: {  	_ =	shalt  }
0x81: {  	_ =	shalt  }
0x82: {  	_ =	shalt  }
0x83: {  	_ =	shalt  }
0x84: {  	_ =	shalt  }
0x85: {  	_ =	shalt  }
0x86: {  	_ =	shalt  }
0x87: {  	_ =	shalt  }
.Lfunc_end0:
.L_simem_size_0:
called_computation_lowered:
.L_overlay_start_0:
0x88: {  	s2 =	sld [smem:$0x3FD9]  }
0x89: {  	s3 =	sld [smem:$0x3FFE];
	_ =	sdelay $0x1  }
0x8a: {  	s1 =	srdreg.scid  }
0x8b: {  	s0 =	sand.u32 $0x1, s1  }
0x8c: {  	s14 =	sshll.u32 s0, $0xA;
	s2 =	sadd.s32 s3, s2  }
0x8d: {  	s2 =	sadd.s32 s2, s14  }
0x8e: {  	[smem:$0x3FC7] =	sst s2  }
0x8f: {  	_ = 	snop  }
0x90: {  	s2 =	sld [smem:$0x3FD0];
	_ =	sdelay $0x2  }
0x91: {  	s15 =	simm.s32 $0xA;
	s4 =	simm.s32 $0x10  }
0x92: {  	[smem:s4], [sflag:s15] =	dma.local [hbm:s2], $0x1  }
0x93: {  	_ =	swait.eq [sflag:s15], $0x1  }
0x94: {  	[sflag:s15] =	ssyncset.done $0x0  }
0x95: {  	[sflag:s15] =	ssyncadd.s32 $0xFFFFFFFF  }
0x96: {  	s16 =	sld [smem:$0x11];
	(tm) =	ssettm $0x1  }
0x97: {  	s17 =	sld [smem:$0x3FFB];
	_ =	sdelay $0x3  }
0x98: {  	_ =	strace s17  }
0x99: {  	s3 =	sld [smem:$0x3FFC];
	_ =	sdelay $0x3  }
0x9a: {  	_ =	strace s3  }
0x9b: {  	s3 =	sld [smem:$0x3FFD];
	_ =	sdelay $0x3  }
0x9c: {  	_ =	strace s3  }
0x9d: {  	_ =	strace $0x8FFFFFFF  }
0x9e: {  	s18 =	sld [smem:$0x3FDB];
	_ =	sdelay $0x1  }
0x9f: {  	s19 =	simm.s32 $_scs_section_size  }
0xa0: {  	s5 =	simm.s32 $_size__tile_overlayer_lowered;
	s6 =	simm.s32 $_tile_overlayer_lowered  }
0xa1: {  	s22 =	simm.s32 $0x1BFF;
	s21 =	sshll.u32 s6, $0x1;
	s3 =	sadd.s32 s19, s18  }
0xa2: {  	s7 =	simm.s32 $0x0;
	s20 =	sshll.u32 s5, $0x1;
	s5 =	sadd.s32 s21, s3  }
0xa3: {  	[timem:s7], [sflag:s22] =	dma.local [hbm:s5], s20  }
0xa4: {  	_ =	swait.ge [sflag:s22], s20  }
0xa5: {  	s4 =	ssub.s32 $0x0, s20;
	[sflag:s22] =	ssyncset.done $0x0  }
0xa6: {  	[sflag:s22] =	ssyncadd.s32 s4;
	_ =	sdelay $0x1  }
0xa7: {  	s23 =	simm.s32 $0x1B8B  }
0xa8: {  	_ =	swait.ge [sflag:s23], $0x1  }
0xa9: {  	[sflag:s23] =	ssyncset.done $0x0  }
0xaa: {  	s25 =	simm.s32 $0x1B8E;
	s24 =	sld [smem:$0x3FFE];
	[sflag:s23] =	ssyncadd.s32 $0xFFFFFFFF  }
0xab: {  	s26 =	simm.s32 $execute0_lowered;
	[smem:$0x3FD2] =	sst s25  }
0xac: {  	s5 =	sshll.u32 s26, $0x1;
	_ =	strace $0x80000049;
	[dreg:$0x1] =	wrdreg $0xFFFFFFFF  }
0xad: {  	s28 =	simm.s32 $_size_execute0_lowered;
	s3 =	sadd.s32 s3, s5;
	[dreg:$0x0] =	wrdreg $0x0  }
0xae: {  	s5 =	sshll.u32 s28, $0x1;
	[dreg:$0x2] =	wrdreg s3  }
0xaf: {  	[dreg:$0x3] =	wrdreg s5  }
0xb0: {  	[dreg:$0x4] =	wrdreg $0xC0  }
0xb1: {  	_ =	task [dreg:s7], $0x5FFFF  }
0xb2: {  	[dreg:$0x1] =	wrdreg $0xFFFFFFFF  }
0xb3: {  	[dreg:$0x0] =	wrdreg $0x60  }
0xb4: {  	[dreg:$0x2] =	wrdreg s16  }
0xb5: {  	[dreg:$0x3] =	wrdreg s24  }
0xb6: {  	[dreg:$0x4] =	wrdreg $0x9  }
0xb7: {  	_ =	task.clear_ibuf [dreg:s7], $0x5FFFF;
	_ =	strace $0x90000049  }
0xb8: {  	s29 =	simm.s32 $0x9;
	_ =	strace $0x8000004B  }
0xb9: {  	_ =	swait.ge [sflag:s29], $0x1  }
0xba: {  	[sflag:s29] =	ssyncadd.s32 $0xFFFFFFFF  }
0xbb: {  	_ =	strace $0x9000004B  }
0xbc: {  	_ =	sfence  }
0xbd: {  	s30 =	sld [smem:$0x0];
	_ =	sdelay $0x2  }
0xbe: {  	s31 =	sshll.u32 s1, $0xD;
	s1 =	sshrl.u32 s1, $0x2  }
0xbf: {  	s3 =	sand.u32 $0x4000, s31;
	s1 =	sadd.s32 s1, s30  }
0xc0: {  	s0 =	sor.u32 s3, s0;
	s1 =	sshll.u32 s1, $0x11  }
0xc1: {  	s0 =	sor.u32 s1, s0  }
0xc2: {  	s0 =	sadd.s32 $0x8F2B, s0  }
0xc3: {  	[sflag:s0] =	ssyncadd.remote.s32 $0x1  }
0xc4: {  	_ =	sfence.sel $0xFFFF  }
0xc5: {  	[dreg:$0x0] =	wrdreg $0xFFFFFFFF;
	(pc) =	sbr.abs _section_cstart, $3  }
0xc6: {  	[dreg:$0x1] =	wrdreg $0xFFFFFFFF  }
0xc7: {  	_ =	task.clear_ibuf [dreg:s7], $0x2FFFF;
	_ =	strace $0x9FFFFFFF  }
0xc8: {  	(tm) =	ssettm $0x7FFFFFFF  }
0xc9: {  	_ =	shalt  }
tec
execute0_lowered:
.L_overlay_start_1:
0x0: {  	(tag) =	ssettag $0x1  }
0x1: {  	s1 =	srdreg.scid;
	s2 =	rddreg [dreg:$0x0]  }
0x2: {  	s0 =	stileid.u32;
	s3 =	rddreg [dreg:$0x1]  }
0x3: {  	s6 =	simm.s32 $0x1;
	s9 =	simm.s32 $0x1;
	s1 =	sshll.u32 s1, $0x6  }
0x4: {  	s10 =	simm.s32 $0x3;
	s4 =	sshll.u32 s0, $0x7;
	s5 =	sand.u32 $0x40, s1  }
0x5: {  	s13 =	simm.s32 $0x0;
	s12 =	simm.s32 $0x0;
	s4 =	sor.u32 s4, s5  }
0x6: {  	s1 =	rddreg [dreg:$0x2];
	_ =	strace $0x8000004A;
	s8 =	ssub.s32 $0x1000, s4  }
.Ltmp0:
0x7: {  	s5 =	sadd.s32 $0x10000, s3;
	s7 =	sand.u32 $0x7C0, s8;
	(pc) =	sbr.rel .LBB2_1-.Ltmp0, $4  }
0x8: {  	[sflag:s6] =	ssyncpa.u1 $0x0;
	s11 =	smov.u32 s4;
	p0 =	sne.s32 s7, $0x0  }
0x9: {  	s8 =	sshrl.u32 s8, $0xB;
	s7 =	simm.s32 $0x2;
	s9 =	simm.s32 @!p0 $0x0  }
0xa: {  	[sflag:s7] =	ssyncpa.u1 $0x0;
	p0 =	por $0x0, $0x0;
	s8 =	sadd.s32 s9, s8  }
0xb: {  	vm0 =	vmmov $0xffff;
	[sflag:s10] =	ssyncpa.u1 $0x0;
	s10 =	simm.s32 $0x0;
	s9 =	sadd.s32 $0x1, s8  }
.LBB2_4:
0xc: {  	v2 =	vnsel vm1, $0x0, v2  }
0xd: {  	vm1 =	vgt.s32 v0, $0x0;
	v2 =	vmin.u32 v2, $0xFFF  }
0xe: {  	v0 =	vnsel vm1, $0x0, v0  }
0xf: {  	v0 =	vmin.u32 v0, $0xFFF  }
0x10: {  	[tilespmem:s15], [sflag:$0x1] =	stream.indirect_vreg.gather [hbm4b:s2+s10], $0x1, v1, vm0, $0x4038;
	[tilespmem:$0x100] =	vst v63  }
0x11: {  	(ifvalue) =	ssetifvalue $0x7FFFFFFF  }
0x12: {  	[tilespmem:s16], [sflag:$0x1] =	stream.indirect_vreg.gather [hbm4b:s2+s10], $0x1, v2, vm0, $0x4038;
	[tilespmem:$0x100] =	vst v63  }
0x13: {  	s29 =	sadd.s32 $0x10, s16;
	(ifvalue) =	ssetifvalue $0x7FFFFFFF  }
0x14: {  	[tilespmem:s29], [sflag:$0x1] =	stream.indirect_vreg.gather [hbm4b:s2+s10], $0x1, v0, vm0, $0x4038;
	[tilespmem:$0x100] =	vst v63  }
0x15: {  	_ =	swait.ge [sflag:s6], $0x40  }
0x16: {  	s30 =	sshrl.u32 s13, $0x3;
	[sflag:s6] =	ssyncset.done $0x0  }
0x17: {  	s31 =	sand.u32 $0x7, s13;
	s15 =	sadd.s32 s3, s30;
	[sflag:s6] =	ssyncadd.s32 $0xFFFFFFC0  }
0x18: {  	[hbm4b:s15+s31] =	stream.linear.scatter [tilespmem:s14], [sflag:$0x3], $0x40, $0x38;
	[tilespmem:$0x100] =	vst v63  }
.LBB2_5:
0x19: {  	s15 =	sadd.s32 $0x800, s11  }
0x1a: {  	p2 =	sgt.s32 s15, $0xFFF  }
0x1b: {  	s15 =	smov.u32 @p2 s4;
	p2 =	sne.s32 s12, s9  }
.Ltmp1:
0x1c: {  	p1 =	slt.u32 s12, $0x2;
	(pc) =	sbr.rel @!p2 .LBB2_6-.Ltmp1, $4  }
0x1d: {  	s14 =	simm.s32 @!p1 $0x3  }
0x1e: {  	s16 =	sadd.s32 $0x1, s12;
	_ =	swait.ge @!p1 [sflag:s14], $0x40  }
0x1f: {  	s13 =	smov.u32 s11;
	p0 =	por !p0, !p0;
	[sflag:s14] =	ssyncset.done @!p1 $0x0  }
0x20: {  	s12 =	smov.u32 s16;
	s11 =	smov.u32 s15;
	[sflag:s14] =	ssyncadd.s32 @!p1 $0xFFFFFFC0  }
.LBB2_1:
0x21: {  	p1 =	sge.u32 s12, s8  }
0x22: {  	s14 =	sxor.u32 @!p1 $0xFFFFFFFF, s12  }
0x23: {  	s31 =	sadd.s32 $0xFFFFFFFF, s12;
	s15 =	sshrl.u32 @!p1 s11, $0x3;
	s14 =	sshll.u32 @!p1 s14, $0x6  }
0x24: {  	s16 =	sand.u32 @!p1 $0x7, s11;
	s15 =	sadd.s32 @!p1 s5, s15;
	s14 =	sand.u32 @!p1 $0x40, s14  }
0x25: {  	[tilespmem:s14], [sflag:$0x2] =	stream.linear.gather @!p1 [hbm4b:s15+s16], $0x40, $0x38;
	[tilespmem:$0x100] =	vst v63  }
0x26: {  	p1 =	sge.u32 s31, s8  }
.Ltmp2:
0x27: {  	_ = 	snop;
	(pc) =	sbr.rel @p1 .LBB2_5-.Ltmp2, $1  }
0x28: {  	_ =	sdelay $0x3  }
0x29: {  	s14 =	simm.s32 $0x1  }
0x2a: {  	_ =	swait.ge [sflag:s7], $0x40;
	s14 =	simm.s32 @!p0 $0x0  }
0x2b: {  	[sflag:s7] =	ssyncset.done $0x0;
	s14 =	sshll.u32 s14, $0x6  }
0x2c: {  	[sflag:s7] =	ssyncadd.s32 $0xFFFFFFC0;
	(ifvalue) =	ssetifvalue $0x7FFFFFFF;
	v0 =	vld.msk [tilespmem:s14+$0x0 ss:$0x1], $0xffff;
	_ =	sdelay $0x4  }
0x2d: {  	s15 =	sadd.s32 $0x10, s14;
	vm1 =	vgt.s32 v0, $0x0  }
0x2e: {  	v2 =	vld.msk [tilespmem:s15+$0x0 ss:$0x1], $0xffff;
	v1 =	vnsel vm1, $0x0, v0  }
0x2f: {  	v1 =	vmin.u32 v1, $0xFFF;
	_ =	sdelay $0x1  }
0x30: {  	s16 =	sshll.u32 s12, $0x6;
	s18 =	simm.s32 $0x20  }
0x31: {  	s16 =	sand.u32 $0x40, s16;
	s17 =	sadd.s32 $0x10, s15;
	s15 =	sor.u32 $0x80, s14  }
0x32: {  	s14 =	sor.u32 $0x80, s16;
	s16 =	sadd.s32 $0x10, s15;
	v0 =	vld.msk [tilespmem:s17+$0x0 ss:$0x1], $0xffff;
	vm1 =	vgt.s32 v2, $0x0;
	(ifvalue) =	ssetifvalue $0x7FFFFFFF  }
.LBB2_3:
0x33: {  	[tilespmem:s15], [sflag:$0x1] =	stream.indirect_vreg.gather [hbm4b:s2+s10], $0x1, v1, vm0, $0x4038;
	[tilespmem:$0x100] =	vst v63  }
0x34: {  	s18 =	sadd.s32 $0x10, s18  }
0x35: {  	v2 =	vnsel vm1, $0x0, v2;
	p1 =	slt.u32 s18, $0x30  }
.Ltmp3:
0x36: {  	s15 =	smov.u32 s16;
	v1 =	vmin.u32 v2, $0xFFF;
	(pc) =	sbr.rel @p1 .LBB2_3-.Ltmp3, $3  }
0x37: {  	_ =	sdelay $0x1  }
0x38: {  	s17 =	sadd.s32 $0x10, s17  }
0x39: {  	vm1 =	vgt.s32 v0, $0x0;
	s16 =	sadd.s32 $0x10, s16;
	v2 =	vmov v0;
	(ifvalue) =	ssetifvalue $0x7FFFFFFF;
	v0 =	vld.msk [tilespmem:s17+$0x0 ss:$0x1], $0xffff  }
.Ltmp4:
0x3a: {  	_ = 	snop;
	(pc) =	sbr.rel .LBB2_4-.Ltmp4, $1  }
0x3b: {  	_ =	sdelay $0x3  }
.LBB2_6:
0x3c: {  	_ =	sfence.sel $0x180000  }
0x3d: {  	s2 =	simm.s32 $0x2;
	[bflag:$0x0] =	sbarrier.arrive $0xFFFF  }
0x3e: {  	s30 =	simm.s32 $0x3;
	[sflag:s2] =	ssyncpa.u1 $0x1  }
0x3f: {  	s31 =	simm.s32 $0x1;
	[sflag:s30] =	ssyncpa.u1 $0x1  }
0x40: {  	[sflag:s31] =	ssyncpa.u1 $0x1  }
0x41: {  	p0 =	sne.s32 s0, $0x0;
	_ =	strace $0x9000004A  }
0x42: {  	s0 =	sadd.s32 @!p0 $0x100000, s1;
	[bflag:$0x2] =	sbarrier.arrive $0xFFFF  }
0x43: {  	[sflag:s0] =	ssyncadd.tile.s32 @!p0 $0x1;
	_ =	shalt  }
.Lfunc_end2:
_tile_overlayer_lowered:
.L_overlay_start_2:
0x44: {  	(tag) =	ssettag $0x2  }
0x45: {  	s0 =	rddreg [dreg:$0x0];
	s2 =	stileid.u32  }
0x46: {  	s1 =	rddreg [dreg:$0x1];
	p0 =	sne.s32 s2, $0x0  }
0x47: {  	s3 =	rddreg [dreg:$0x2];
	[bflag:$0x3] =	sbarrier.arrive $0xFFFF;
	s2 =	simm.s32 @!p0 $0x1C01  }
0x48: {  	[timem:s3], [sflag:s2] =	dma.local @!p0 [hbm:s0], s1  }
0x49: {  	s0 =	simm.s32 @!p0 $0x1  }
0x4a: {  	_ =	swait.ge @!p0 [sflag:s0], s1  }
0x4b: {  	s1 =	ssub.s32 @!p0 $0x0, s1;
	[sflag:s0] =	ssyncset.done @!p0 $0x0  }
0x4c: {  	[sflag:s0] =	ssyncadd.s32 @!p0 s1  }
0x4d: {  	[bflag:$0x3] =	sbarrier.arrive $0xFFFF  }
0x4e: {  	_ =	shalt  }

// kernel: kernel.5.cloned.1.call-start
scs
__scs_entry_jumppad:
0x0: {  	(pc) =	sbr.rel $0x88, $3  }
0x1: {  	(tag) =	ssettag $0x0;
	lr =	simm.s32 $0x1  }
0x2: {  	[smem:$0x3FA0] =	sst lr;
	_ =	strace $0xD0000000  }
0x3: {  	_ = 	snop  }
0x4: {  	_ = 	snop  }
0x5: {  	_ = 	snop  }
0x6: {  	_ = 	snop  }
0x7: {  	_ = 	snop  }
__scs_overlays_trampoline_lowered:
0x8: {  	[smem:$0x3FAF] =	sst s0  }
0x9: {  	[smem:$0x3FB0] =	sst s1  }
0xa: {  	[smem:$0x3FB1] =	sst s2  }
0xb: {  	[smem:$0x3FB2] =	sst s3  }
0xc: {  	[smem:$0x3FB3] =	sst s4  }
0xd: {  	[smem:$0x3FB4] =	sst s5  }
0xe: {  	[smem:$0x3FB5] =	sst s6  }
0xf: {  	[smem:$0x3FB6] =	sst s7  }
0x10: {  	[smem:$0x3FB7] =	sst s8  }
0x11: {  	[smem:$0x3FB8] =	sst s9;
	s0 =	simm.s32 @!p0 $0x0  }
0x12: {  	s1 =	sld [smem:$0x3F9E];
	s0 =	simm.s32 @p0 $0x1  }
0x13: {  	[smem:$0x3FB9] =	sst s0;
	s0 =	simm.s32 @!p1 $0x0  }
0x14: {  	s2 =	sld [smem:$0x3F9D];
	s0 =	simm.s32 @p1 $0x1  }
0x15: {  	[smem:$0x3FBA] =	sst s0;
	s0 =	simm.s32 @!p2 $0x0  }
0x16: {  	s3 =	sld [smem:$0x3FDB];
	s0 =	simm.s32 @p2 $0x1  }
0x17: {  	s4 =	simm.s32 $0x1BF5;
	[smem:$0x3FBC] =	sst s0  }
0x18: {  	s0 =	sld [smem:$0x3F9F];
	_ =	swait.ge [sflag:s4], $0x0  }
0x19: {  	s7 =	sld [smem:$0x3FA0]  }
0x1a: {  	s8 =	sadd.s32 $0xFFFFE003, lr  }
0x1b: {  	s9 =	sadd.s32 $0xFFFFFEF7, lr;
	s5 =	simm.s32 $0xFFFFFFFF;
	p2 =	slt.u32 s8, $0xFFFFF086  }
0x1c: {  	p1 =	slt.u32 s9, $0xF7A;
	s5 =	simm.s32 @!p2 $0x0  }
0x1d: {  	s5 =	simm.s32 @p1 $0x1;
	p0 =	seq.s32 s7, s2  }
0x1e: {  	s7 =	smul.u32 @!p0 $0xF7A, s2;
	p2 =	seq.s32 @!p0 s5, $0x0  }
0x1f: {  	s9 =	smul.u32 $0xF7A, s1;
	s8 =	simm.s32 @!p0 $0x1BF5;
	p2 =	por !p2, p0  }
0x20: {  	[sflag:s8] =	ssyncset.s32 @!p0 $0xFFFFF086;
	s6 =	sadd.s32 @!p0 s3, s7;
	s7 =	simm.s32 @!p0 $0x108  }
0x21: {  	s3 =	sadd.s32 s3, s9;
	s6 =	sadd.s32 @!p0 $0x88, s6;
	s7 =	simm.s32 @p2 $0x1082  }
0x22: {  	[simem:s7], [sflag:s8] =	dma.local @!p0 [hbm:s6], $0xF7A  }
0x23: {  	s9 =	sor.u32 $0xD0000000, s2;
	s6 =	simm.s32 $0x108;
	_ =	swait.ge @!p0 [sflag:s8], $0x0  }
0x24: {  	s3 =	sadd.s32 $0x88, s3;
	s6 =	simm.s32 @!p1 $0x1082;
	[sflag:s4] =	ssyncset.s32 $0xFFFFF086  }
0x25: {  	[simem:s6], [sflag:s4] =	dma.local [hbm:s3], $0xF7A  }
0x26: {  	[smem:$0x3FA0] =	sst s1;
	(tag) =	ssettag s2;
	_ =	strace s9  }
0x27: {  	s1 =	sld [smem:$0x3FB0]  }
0x28: {  	s2 =	sld [smem:$0x3FB1]  }
0x29: {  	s4 =	sld [smem:$0x3FB3]  }
0x2a: {  	p0 =	seq.s32 s5, $0x0;
	s5 =	sld [smem:$0x3FB4]  }
0x2b: {  	s6 =	sld [smem:$0x3FB5]  }
0x2c: {  	s7 =	sld [smem:$0x3FB6]  }
0x2d: {  	s3 =	simm.s32 $0x108;
	s8 =	sld [smem:$0x3FB7]  }
0x2e: {  	s3 =	simm.s32 @!p0 $0x1082;
	s9 =	sld [smem:$0x3FB8]  }
0x2f: {  	lr =	sadd.s32 s0, s3;
	s0 =	sld [smem:$0x3FAF]  }
0x30: {  	s3 =	sld [smem:$0x3FB2]  }
0x31: {  	[smem:$0x3FBB] =	sst s10  }
0x32: {  	s10 =	sld [smem:$0x3FB9];
	_ =	sdelay $0x3  }
0x33: {  	p0 =	seq.s32 s10, $0x1;
	s10 =	sld [smem:$0x3FBB];
	_ =	sdelay $0x3  }
0x34: {  	[smem:$0x3FBB] =	sst s10  }
0x35: {  	s10 =	sld [smem:$0x3FBA];
	_ =	sdelay $0x3  }
0x36: {  	p1 =	seq.s32 s10, $0x1;
	s10 =	sld [smem:$0x3FBB];
	_ =	sdelay $0x3  }
0x37: {  	[smem:$0x3FBB] =	sst s10  }
0x38: {  	s10 =	sld [smem:$0x3FBC]  }
0x39: {  	_ = 	snop;
	(pc) =	sbr.ind lr, $3  }
0x3a: {  	_ = 	snop  }
0x3b: {  	_ = 	snop  }
0x3c: {  	p2 =	seq.s32 s10, $0x1;
	s10 =	sld [smem:$0x3FBB]  }
0x3d: {  	_ =	shalt  }
0x3e: {  	_ =	shalt  }
0x3f: {  	_ =	shalt  }
0x40: {  	_ =	shalt  }
0x41: {  	_ =	shalt  }
0x42: {  	_ =	shalt  }
0x43: {  	_ =	shalt  }
0x44: {  	_ =	shalt  }
0x45: {  	_ =	shalt  }
0x46: {  	_ =	shalt  }
0x47: {  	_ =	shalt  }
0x48: {  	_ =	shalt  }
0x49: {  	_ =	shalt  }
0x4a: {  	_ =	shalt  }
0x4b: {  	_ =	shalt  }
0x4c: {  	_ =	shalt  }
0x4d: {  	_ =	shalt  }
0x4e: {  	_ =	shalt  }
0x4f: {  	_ =	shalt  }
0x50: {  	_ =	shalt  }
0x51: {  	_ =	shalt  }
0x52: {  	_ =	shalt  }
0x53: {  	_ =	shalt  }
0x54: {  	_ =	shalt  }
0x55: {  	_ =	shalt  }
0x56: {  	_ =	shalt  }
0x57: {  	_ =	shalt  }
0x58: {  	_ =	shalt  }
0x59: {  	_ =	shalt  }
0x5a: {  	_ =	shalt  }
0x5b: {  	_ =	shalt  }
0x5c: {  	_ =	shalt  }
0x5d: {  	_ =	shalt  }
0x5e: {  	_ =	shalt  }
0x5f: {  	_ =	shalt  }
0x60: {  	_ =	shalt  }
0x61: {  	_ =	shalt  }
0x62: {  	_ =	shalt  }
0x63: {  	_ =	shalt  }
0x64: {  	_ =	shalt  }
0x65: {  	_ =	shalt  }
0x66: {  	_ =	shalt  }
0x67: {  	_ =	shalt  }
0x68: {  	_ =	shalt  }
0x69: {  	_ =	shalt  }
0x6a: {  	_ =	shalt  }
0x6b: {  	_ =	shalt  }
0x6c: {  	_ =	shalt  }
0x6d: {  	_ =	shalt  }
0x6e: {  	_ =	shalt  }
0x6f: {  	_ =	shalt  }
0x70: {  	_ =	shalt  }
0x71: {  	_ =	shalt  }
0x72: {  	_ =	shalt  }
0x73: {  	_ =	shalt  }
0x74: {  	_ =	shalt  }
0x75: {  	_ =	shalt  }
0x76: {  	_ =	shalt  }
0x77: {  	_ =	shalt  }
0x78: {  	_ =	shalt  }
0x79: {  	_ =	shalt  }
0x7a: {  	_ =	shalt  }
0x7b: {  	_ =	shalt  }
0x7c: {  	_ =	shalt  }
0x7d: {  	_ =	shalt  }
0x7e: {  	_ =	shalt  }
0x7f: {  	_ =	shalt  }
0x80: {  	_ =	shalt  }
0x81: {  	_ =	shalt  }
0x82: {  	_ =	shalt  }
0x83: {  	_ =	shalt  }
0x84: {  	_ =	shalt  }
0x85: {  	_ =	shalt  }
0x86: {  	_ =	shalt  }
0x87: {  	_ =	shalt  }
.Lfunc_end0:
.L_simem_size_0:
called_computation.2_lowered:
.L_overlay_start_0:
0x88: {  	s2 =	sld [smem:$0x3FD9]  }
0x89: {  	s3 =	sld [smem:$0x3FFE];
	_ =	sdelay $0x1  }
0x8a: {  	s1 =	srdreg.scid  }
0x8b: {  	s0 =	sand.u32 $0x1, s1  }
0x8c: {  	s16 =	sshll.u32 s0, $0xA;
	s2 =	sadd.s32 s3, s2  }
0x8d: {  	s2 =	sadd.s32 s2, s16  }
0x8e: {  	[smem:$0x3FC7] =	sst s2  }
0x8f: {  	_ = 	snop  }
0x90: {  	(tm) =	ssettm $0x1  }
0x91: {  	s17 =	sld [smem:$0x3FFB];
	_ =	sdelay $0x3  }
0x92: {  	_ =	strace s17  }
0x93: {  	s2 =	sld [smem:$0x3FFC];
	_ =	sdelay $0x3  }
0x94: {  	_ =	strace s2  }
0x95: {  	s2 =	sld [smem:$0x3FFD];
	_ =	sdelay $0x3  }
0x96: {  	_ =	strace s2  }
0x97: {  	_ =	strace $0x8FFFFFFF  }
0x98: {  	s18 =	sld [smem:$0x3FDB];
	_ =	sdelay $0x1  }
0x99: {  	s19 =	simm.s32 $_scs_section_size  }
0x9a: {  	s4 =	simm.s32 $_size__tile_overlayer_lowered;
	s5 =	simm.s32 $_tile_overlayer_lowered  }
0x9b: {  	s22 =	simm.s32 $0x1BFF;
	s21 =	sshll.u32 s5, $0x1;
	s2 =	sadd.s32 s19, s18  }
0x9c: {  	s6 =	simm.s32 $0x0;
	s20 =	sshll.u32 s4, $0x1;
	s4 =	sadd.s32 s21, s2  }
0x9d: {  	[timem:s6], [sflag:s22] =	dma.local [hbm:s4], s20  }
0x9e: {  	_ =	swait.ge [sflag:s22], s20  }
0x9f: {  	s3 =	ssub.s32 $0x0, s20;
	[sflag:s22] =	ssyncset.done $0x0  }
0xa0: {  	[sflag:s22] =	ssyncadd.s32 s3;
	_ =	sdelay $0x1  }
0xa1: {  	s23 =	simm.s32 $0x1B8B  }
0xa2: {  	_ =	swait.ge [sflag:s23], $0x1  }
0xa3: {  	[sflag:s23] =	ssyncset.done $0x0  }
0xa4: {  	s25 =	simm.s32 $0x1B8E;
	s24 =	sld [smem:$0x3FFE];
	[sflag:s23] =	ssyncadd.s32 $0xFFFFFFFF  }
0xa5: {  	s26 =	simm.s32 $execute0_lowered;
	[smem:$0x3FD2] =	sst s25  }
0xa6: {  	s4 =	sshll.u32 s26, $0x1;
	_ =	strace $0x8000004C;
	[dreg:$0x1] =	wrdreg $0xFFFFFFFF  }
0xa7: {  	s28 =	simm.s32 $_size_execute0_lowered;
	s2 =	sadd.s32 s2, s4;
	[dreg:$0x0] =	wrdreg $0x0  }
0xa8: {  	s4 =	sshll.u32 s28, $0x1;
	[dreg:$0x2] =	wrdreg s2  }
0xa9: {  	[dreg:$0x3] =	wrdreg s4  }
0xaa: {  	[dreg:$0x4] =	wrdreg $0xC0  }
0xab: {  	_ =	task [dreg:s6], $0x5FFFF  }
0xac: {  	[dreg:$0x1] =	wrdreg $0xFFFFFFFF  }
0xad: {  	[dreg:$0x0] =	wrdreg $0x60  }
0xae: {  	[dreg:$0x2] =	wrdreg s24  }
0xaf: {  	[dreg:$0x3] =	wrdreg $0x9  }
0xb0: {  	_ =	task.clear_ibuf [dreg:s6], $0x4FFFF;
	_ =	strace $0x9000004C  }
0xb1: {  	s29 =	simm.s32 $0x9;
	_ =	strace $0x8000004E  }
0xb2: {  	_ =	swait.ge [sflag:s29], $0x1  }
0xb3: {  	[sflag:s29] =	ssyncadd.s32 $0xFFFFFFFF  }
0xb4: {  	_ =	strace $0x9000004E  }
0xb5: {  	_ =	sfence  }
0xb6: {  	s30 =	sld [smem:$0x0];
	_ =	sdelay $0x2  }
0xb7: {  	s31 =	sshll.u32 s1, $0xD;
	s1 =	sshrl.u32 s1, $0x2  }
0xb8: {  	s3 =	sand.u32 $0x4000, s31;
	s1 =	sadd.s32 s1, s30  }
0xb9: {  	s0 =	sor.u32 s3, s0;
	s1 =	sshll.u32 s1, $0x11  }
0xba: {  	s0 =	sor.u32 s1, s0  }
0xbb: {  	s0 =	sadd.s32 $0x8F2B, s0  }
0xbc: {  	[sflag:s0] =	ssyncadd.remote.s32 $0x1  }
0xbd: {  	_ =	sfence.sel $0xFFFF  }
0xbe: {  	[dreg:$0x0] =	wrdreg $0xFFFFFFFF;
	(pc) =	sbr.abs _section_cstart, $3  }
0xbf: {  	[dreg:$0x1] =	wrdreg $0xFFFFFFFF  }
0xc0: {  	_ =	task.clear_ibuf [dreg:s6], $0x2FFFF;
	_ =	strace $0x9FFFFFFF  }
0xc1: {  	(tm) =	ssettm $0x7FFFFFFF  }
tec
execute0_lowered:
.L_overlay_start_1:
0x0: {  	(tag) =	ssettag $0x1  }
0x1: {  	s0 =	srdreg.scid  }
0x2: {  	s3 =	sand.u32 $0x1, s0;
	s0 =	stileid.u32  }
0x3: {  	s4 =	sor.u32 s0, s3  }
0x4: {  	p0 =	sne.s32 s4, $0x0  }
.Ltmp0:
0x5: {  	_ = 	snop;
	(pc) =	sbr.rel @p0 .LBB2_17-.Ltmp0, $3  }
0x6: {  	_ =	sdelay $0x1  }
0x7: {  	s2 =	rddreg [dreg:$0x0]  }
0x8: {  	s1 =	rddreg [dreg:$0x1];
	_ =	strace $0x8000004D  }
0x9: {  	s5 =	ssub.s32 $0x2, s3;
	s3 =	sadd.s32 $0x200, s2;
	v0 =	vlaneseq.u32;
	s4 =	sadd.s32 $0x2200, s2  }
0xa: {  	v1 =	vimm.s32 $0xFFFFFFFF;
	v2 =	vimm.f32 $0.0e+00;
	vm0 =	vmmov $0x7fff;
	s7 =	simm.s32 $0x1;
	s8 =	simm.s32 $0x1000;
	s9 =	simm.s32 $0x11000  }
0xb: {  	vm1 =	vcmask $0x3F3C;
	v3 =	vimm.s32 $0x0;
	vm2 =	vmmov $0x1;
	s10 =	simm.s32 $0x14000;
	s11 =	simm.s32 $0x15000;
	s6 =	sshrl.u32 s5, $0x1  }
0xc: {  	vm3 =	vcmask $0x2F2C;
	vm4 =	vmxor vm4, vm4;
	v4 =	vimm.f32 $1.000000000e+00;
	s12 =	simm.s32 $0x0;
	s5 =	ssub.s32 s5, s6;
	s6 =	simm.s32 $0x0  }
.LBB2_2:
0xd: {  	[tilespmem:s6], [sflag:$0x1] =	stream.linear.gather [hbm4b:s2+s6], $0x1000, $0x38;
	[tilespmem:$0x15080] =	vst v63  }
0xe: {  	_ =	swait.ge [sflag:s7], $0x1000  }
0xf: {  	[sflag:s7] =	ssyncset.done $0x0  }
0x10: {  	[sflag:s7] =	ssyncadd.s32 $0xFFFFF000  }
0x11: {  	[tilespmem:s8], [sflag:$0x1] =	stream.linear.gather [hbm4b:s3+s6], $0x10000, $0x38;
	[tilespmem:$0x15080] =	vst v63  }
0x12: {  	_ =	swait.ge [sflag:s7], $0x10000  }
0x13: {  	s13 =	simm.s32 $0x12000;
	[sflag:s7] =	ssyncset.done $0x0  }
0x14: {  	s14 =	simm.s32 $0x11000;
	s15 =	simm.s32 $0x0;
	[sflag:s7] =	ssyncadd.s32 $0xFFFF0000  }
.LBB2_3:
0x15: {  	p0 =	sne.s32 s15, $0xFF0  }
.Ltmp1:
0x16: {  	_ = 	snop;
	(pc) =	sbr.rel @p0 .LBB2_3-.Ltmp1, $4  }
0x17: {  	_ = 	snop  }
0x18: {  	v5 =	vor.u32 s15, v0  }
0x19: {  	[tilespmem:s14+$0x0] =	vst v5  }
0x1a: {  	s15 =	sadd.s32 $0x10, s15;
	s14 =	sadd.s32 $0x10, s14;
	[tilespmem:s13+$0x0] =	vst v1;
	s13 =	sadd.s32 $0x10, s13  }
.Ltmp2:
0x1b: {  	(pc) =	sbr.rel .LBB2_5-.Ltmp2, $2  }
0x1c: {  	_ =	sdelay $0x2  }
0x1d: {  	s14 =	simm.s32 $0x0  }
.LBB2_7:
0x1e: {  	v7 =	vmov s15  }
0x1f: {  	vm5 =	vgt.s32 v6, v7;
	_ =	sdelay $0x4  }
0x20: {  	s16 =	simm.s32 $0x11000  }
0x21: {  	s13 =	simm.s32 $0x0;
	[tilespmem:v6+s16+$0x0] =	vst.idx.msk vm5, v5  }
0x22: {  	v8 =	vld.idx.msk [tilespmem:v5+s13+$0x0], $0xffff;
	_ =	sdelay $0x4  }
0x23: {  	v9 =	vnsel vm5, $0xFF800000, v8  }
0x24: {  	(xrf0) =	vmax.scan.msk.f32 $0xffff, v9;
	_ =	sdelay $0x5  }
0x25: {  	v9, _, _ =	vpop (xrf0)  }
0x26: {  	v9 =	vbroadcast v9, $0xF;
	_ =	sdelay $0x1  }
0x27: {  	vm6 =	veq.f32 v8, v9  }
0x28: {  	v62 =	vxor.u32 $0x80000000, v5;
	vm6 =	vmand vm5, vm6  }
0x29: {  	v8 =	vnsel vm6, $0x7FFFFFFF, v62  }
0x2a: {  	(xrf0) =	vmax.scan.msk.u32 $0xffff, v8;
	_ =	sdelay $0x1  }
0x2b: {  	v6 =	vshll.u32 v6, $0xC  }
0x2c: {  	v6 =	vor.u32 v6, v5  }
0x2d: {  	v6 =	vxor.u32 $0x80000000, v6  }
0x2e: {  	v6 =	vnsel vm5, $0x7FFFFFFF, v6  }
0x2f: {  	v8, _, _ =	vpop (xrf0);
	(xrf0) =	vmax.scan.msk.u32 $0xffff, v6;
	_ =	sdelay $0x2  }
0x30: {  	(v2sf) =	vpush v8, $0xF;
	_ =	sdelay $0x2  }
0x31: {  	v6, _, _ =	vpop (xrf0)  }
0x32: {  	(v2sf) =	vpush v6, $0xF;
	_ =	sdelay $0xa  }
0x33: {  	s17 =	spop (v2sf)  }
0x34: {  	s17 =	sxor.u32 $0x80000000, s17  }
0x35: {  	vm6 =	vne.s32 v5, s17  }
0x36: {  	vm5 =	vmand vm5, vm6  }
0x37: {  	vm6 =	vmor vm5, vm1;
	s18 =	spop (v2sf)  }
0x38: {  	s14 =	sadd.s32 $0x1, s14;
	v6 =	vsel vm0, v5, v7;
	p0 =	slt.s32 s18, $0x0;
	s18 =	sand.u32 $0xFFF, s18  }
0x39: {  	s15 =	smov.u32 @p0 s18;
	p0 =	sne.s32 s14, $0x1000  }
.Ltmp3:
0x3a: {  	_ = 	snop;
	(pc) =	sbr.rel @!p0 .LBB2_8-.Ltmp3, $4  }
0x3b: {  	vm7 =	veq.s32 v0, $0xF;
	v63 =	vmov s17  }
0x3c: {  	v8 =	vsel vm7, s15, v63  }
0x3d: {  	s15 =	simm.s32 $0x12000;
	[tilespmem:v6+s16+$0x0] =	vst.idx.msk vm6, v8  }
0x3e: {  	[tilespmem:v5+s15+$0x0] =	vst.idx.msk vm5, v7  }
.LBB2_5:
0x3f: {  	s15 =	sxor.u32 $0xFFF, s14  }
0x40: {  	s13 =	sshll.u32 s15, $0x4  }
0x41: {  	v6 =	vld [tilespmem:s13+$0x1000];
	_ =	sdelay $0x4  }
0x42: {  	vm5 =	vgt.s32 v6, s15  }
0x43: {  	v5 =	vnsel vm5, s15, v6;
	_ =	sdelay $0x4  }
0x44: {  	v7 =	vld.idx.msk [tilespmem:v5+s9+$0x0], $0xffff;
	_ =	sdelay $0x7  }
0x45: {  	v5 =	vld.idx.msk [tilespmem:v7+s9+$0x0], $0xffff;
	_ =	sdelay $0x4  }
0x46: {  	vm5 =	veq.s32 v5, v7  }
0x47: {  	v7 =	vsel vm5, $0x3F800000, v2  }
0x48: {  	(xrf0) =	vmin.scan.msk.f32 $0xffff, v7;
	_ =	sdelay $0x5  }
0x49: {  	v7, _, _ =	vpop (xrf0)  }
0x4a: {  	(v2sf) =	vpush v7, $0xF;
	_ =	sdelay $0xe  }
0x4b: {  	s31 =	spop (v2sf)  }
0x4c: {  	p0 =	sgt.f32 s31, $0.0e+00  }
.Ltmp4:
0x4d: {  	_ = 	snop;
	(pc) =	sbr.rel @p0 .LBB2_7-.Ltmp4, $1  }
0x4e: {  	_ =	sdelay $0x3  }
.LBB2_6:
0x4f: {  	v7 =	vld.idx.msk [tilespmem:v5+s9+$0x0], $0xffff;
	_ =	sdelay $0x4  }
0x50: {  	vm5 =	veq.s32 v7, v5  }
0x51: {  	v5 =	vsel vm5, $0x0, v4  }
0x52: {  	(xrf0) =	vmax.scan.msk.f32 $0xffff, v5;
	_ =	sdelay $0x5  }
0x53: {  	v5, _, _ =	vpop (xrf0)  }
0x54: {  	(v2sf) =	vpush v5, $0xF;
	_ =	sdelay $0xe  }
0x55: {  	s13 =	spop (v2sf)  }
0x56: {  	p0 =	sgt.f32 s13, $0.0e+00  }
.Ltmp5:
0x57: {  	_ = 	snop;
	(pc) =	sbr.rel @p0 .LBB2_6-.Ltmp5, $2  }
0x58: {  	_ =	sdelay $0x2  }
0x59: {  	v5 =	vmov v7  }
.Ltmp6:
0x5a: {  	_ = 	snop;
	(pc) =	sbr.rel .LBB2_7-.Ltmp6, $1  }
0x5b: {  	_ =	sdelay $0x3  }
.LBB2_8:
0x5c: {  	v5 =	vld [tilespmem:s15+$0x0]  }
0x5d: {  	v6 =	vld [tilespmem:s16+$0x0];
	_ =	sdelay $0x3  }
0x5e: {  	v7 =	vor.u32 s13, v0;
	vm5 =	vgt.s32 v5, $0x0  }
0x5f: {  	vm6 =	veq.s32 v6, v7;
	v6 =	vnsel vm5, $0x0, v5  }
0x60: {  	v6 =	vsel vm6, $0x0, v6;
	_ =	sdelay $0x3  }
0x61: {  	v7 =	vld [tilespmem:s13+$0x0]  }
0x62: {  	v6 =	vld.idx.msk [tilespmem:v6+s6+$0x0], $0xffff;
	_ =	sdelay $0x4  }
0x63: {  	vm5 =	vgt.s32 v5, $0xFFFFFFFF;
	v5 =	vsub.f32 v7, v6  }
0x64: {  	s15 =	simm.s32 $0x13000;
	vm5 =	vmor vm6, vm5  }
0x65: {  	s14 =	simm.s32 $0x14000;
	v6 =	vsel vm5, $0x1, v3;
	[tilespmem:s15+$0x0] =	vst v5  }
0x66: {  	v8 =	vimm.s32 $0x0;
	s16 =	simm.s32 $0x12010;
	v7 =	vimm.f32 $0.0e+00;
	v5 =	vnsel vm5, $0x0, v5;
	[tilespmem:s14+$0x0] =	vst v6  }
0x67: {  	s17 =	simm.s32 $0x10;
	s19 =	simm.s32 $0x20;
	s18 =	simm.s32 $0x11010;
	v5 =	vadd.f32 v5, v7;
	v6 =	vadd.s32 v6, v8;
	v7 =	vld [tilespmem:s16+$0x0]  }
.LBB2_9:
0x68: {  	p0 =	sne.s32 s19, $0xFF0;
	v8 =	vld [tilespmem:s18+$0x0];
	_ =	sdelay $0x3  }
0x69: {  	v9 =	vor.u32 s17, v0;
	s17 =	smov.u32 s19;
	vm5 =	vgt.s32 v7, $0x0  }
0x6a: {  	vm6 =	veq.s32 v8, v9;
	v8 =	vnsel vm5, $0x0, v7  }
0x6b: {  	v8 =	vsel vm6, $0x0, v8;
	_ =	sdelay $0x4  }
0x6c: {  	s13 =	sadd.s32 $0x10, s13;
	v8 =	vld.idx.msk [tilespmem:v8+s6+$0x0], $0xffff  }
0x6d: {  	v9 =	vld [tilespmem:s13+$0x0];
	_ =	sdelay $0x4  }
.Ltmp7:
0x6e: {  	vm5 =	vgt.s32 v7, $0xFFFFFFFF;
	v7 =	vsub.f32 v9, v8;
	(pc) =	sbr.rel @p0 .LBB2_9-.Ltmp7, $4  }
0x6f: {  	s15 =	sadd.s32 $0x10, s15;
	vm5 =	vmor vm6, vm5  }
0x70: {  	s14 =	sadd.s32 $0x10, s14;
	v8 =	vsel vm5, $0x1, v3;
	[tilespmem:s15+$0x0] =	vst v7;
	v7 =	vnsel vm5, $0x0, v7  }
0x71: {  	s16 =	sadd.s32 $0x10, s16;
	v6 =	vadd.s32 v8, v6;
	[tilespmem:s14+$0x0] =	vst v8;
	v5 =	vadd.f32 v7, v5  }
0x72: {  	s19 =	sadd.s32 $0x10, s19;
	s18 =	sadd.s32 $0x10, s18;
	v7 =	vld [tilespmem:s16+$0x0]  }
0x73: {  	v8 =	vld [tilespmem:s18+$0x0];
	_ =	sdelay $0x3  }
0x74: {  	v9 =	vor.u32 s17, v0;
	vm5 =	vgt.s32 v7, $0x0  }
0x75: {  	vm6 =	veq.s32 v8, v9;
	v61 =	vnsel vm5, $0x0, v7;
	vm5 =	vgt.s32 v7, $0xFFFFFFFF  }
0x76: {  	v7 =	vsel vm6, $0x0, v61;
	vm5 =	vmor vm6, vm5  }
0x77: {  	v62 =	vsel vm5, $0x1, v3  }
0x78: {  	v6 =	vadd.s32 v62, v6  }
0x79: {  	(xrf0) =	vadd.scan.msk.s32 $0xffff, v6;
	_ =	sdelay $0x1  }
0x7a: {  	s13 =	sadd.s32 $0x10, s13;
	v6 =	vld.idx.msk [tilespmem:v7+s6+$0x0], $0xffff  }
0x7b: {  	v7 =	vld [tilespmem:s13+$0x0];
	_ =	sdelay $0x2  }
0x7c: {  	v63, _, _ =	vpop (xrf0)  }
0x7d: {  	(v2sf) =	vpush v63, $0xF  }
0x7e: {  	v6 =	vsub.f32 v7, v6;
	_ =	sdelay $0x1  }
0x7f: {  	v7 =	vnsel vm5, $0x0, v6  }
0x80: {  	v5 =	vadd.f32 v7, v5;
	_ =	sdelay $0x1  }
0x81: {  	(xrf2) =	vadd.scan.msk.f32 $0xffff, v5;
	_ =	sdelay $0x8  }
0x82: {  	s30 =	spop (v2sf)  }
0x83: {  	v5, _, _ =	vpop (xrf2);
	s13 =	scvt.s32.f32 s30  }
0x84: {  	v5 =	vbroadcast v5, $0xF  }
0x85: {  	s15 =	sadd.s32 $0x10, s15;
	v7 =	vmov s13  }
0x86: {  	s31 =	sadd.s32 $0x10, s14;
	[tilespmem:s15+$0x0] =	vst v6;
	v5 =	vnsel vm2, $0x0, v5;
	v6 =	vnsel vm3, $0x0, v7  }
0x87: {  	[tilespmem:s31+$0x0] =	vst v62;
	s13 =	simm.s32 $0x0;
	v5 =	vadd.f32 v6, v5  }
.LBB2_11:
0x88: {  	s15 =	simm.s32 $0x0  }
0x89: {  	v7 =	vld [tilespmem:s15+$0x14000]  }
0x8a: {  	v6 =	vimm.f32 $-Inf;
	s14 =	simm.s32 $0x40;
	v8 =	vld [tilespmem:s15+$0x13000]  }
.LBB2_12:
0x8b: {  	p0 =	sne.s32 s14, $0x3FC0  }
.Ltmp8:
0x8c: {  	_ = 	snop;
	(pc) =	sbr.rel @p0 .LBB2_12-.Ltmp8, $4  }
0x8d: {  	_ = 	snop  }
0x8e: {  	s15 =	sshra.s32 s14, $0x2  }
0x8f: {  	s14 =	sadd.s32 $0x40, s14;
	vm5 =	vgt.s32 v7, $0x0;
	v7 =	vld [tilespmem:s15+$0x14000];
	v9 =	vmax.f32 v6, v8  }
0x90: {  	v8 =	vld [tilespmem:s15+$0x13000];
	v6 =	vsel vm5, v9, v6  }
0x91: {  	_ =	sdelay $0x3  }
0x92: {  	vm5 =	vgt.s32 v7, $0x0;
	v7 =	vmax.f32 v6, v8  }
0x93: {  	v6 =	vsel vm5, v7, v6  }
0x94: {  	(xrf0) =	vmax.scan.msk.f32 $0xffff, v6;
	_ =	sdelay $0x1  }
0x95: {  	s15 =	simm.s32 $0x14000  }
0x96: {  	s14 =	simm.s32 $0x13000;
	v9 =	vld [tilespmem:s15+$0x0]  }
0x97: {  	v10 =	vld [tilespmem:s14+$0x0];
	_ =	sdelay $0x1  }
0x98: {  	v6, _, _ =	vpop (xrf0)  }
0x99: {  	v8 =	vbroadcast v6, $0xF  }
0x9a: {  	s16 =	simm.s32 $0x10;
	s17 =	simm.s32 $0x14010;
	s15 =	simm.s32 $0x0;
	v7 =	vimm.s32 $0xFFFFFFFF  }
.LBB2_14:
0x9b: {  	vm5 =	vgt.s32 v9, $0x0;
	v9 =	vld [tilespmem:s17+$0x0];
	vm6 =	veq.f32 v10, v8;
	s14 =	sadd.s32 $0x10, s14;
	s18 =	smov.u32 s16;
	p0 =	sne.s32 s16, $0xFF0  }
.Ltmp9:
0x9c: {  	s16 =	sadd.s32 $0x10, s16;
	v11 =	vor.u32 s15, v0;
	v10 =	vld [tilespmem:s14+$0x0];
	vm5 =	vmand vm5, vm6;
	(pc) =	sbr.rel @p0 .LBB2_14-.Ltmp9, $4  }
0x9d: {  	s15 =	smov.u32 s18;
	v11 =	vnsel vm5, $0xFFFFFFFF, v11  }
0x9e: {  	vm5 =	vgt.s32 v7, v11  }
0x9f: {  	v7 =	vsel vm5, v7, v11  }
0xa0: {  	s17 =	sadd.s32 $0x10, s17  }
0xa1: {  	vm5 =	vgt.s32 v9, $0x0;
	vm6 =	veq.f32 v10, v8  }
0xa2: {  	v62 =	vor.u32 s15, v0;
	vm5 =	vmand vm5, vm6  }
0xa3: {  	v8 =	vnsel vm5, $0xFFFFFFFF, v62  }
0xa4: {  	vm5 =	vgt.s32 v7, v8  }
0xa5: {  	v7 =	vsel vm5, v7, v8  }
0xa6: {  	v7 =	vxor.u32 $0x80000000, v7  }
0xa7: {  	(xrf0) =	vmax.scan.msk.u32 $0xffff, v7;
	_ =	sdelay $0x5  }
0xa8: {  	(v2sf) =	vpush v6, $0xF;
	v6, _, _ =	vpop (xrf0)  }
0xa9: {  	(v2sf) =	vpush v6, $0xF;
	_ =	sdelay $0xd  }
0xaa: {  	s14 =	spop (v2sf)  }
0xab: {  	s29 =	spop (v2sf)  }
0xac: {  	s16 =	sxor.u32 $0x80000000, s29  }
0xad: {  	p0 =	sgt.s32 s16, $0x0  }
0xae: {  	s16 =	simm.s32 @!p0 $0x0  }
0xaf: {  	v6 =	vmov s16  }
0xb0: {  	v6 =	vbroadcast v6, $0x0;
	_ =	sdelay $0x5  }
0xb1: {  	v7 =	vld.idx.msk [tilespmem:v6+s6+$0x0], $0xffff;
	_ =	sdelay $0x4  }
0xb2: {  	(xrf0) =	vmax.scan.msk.f32 $0xffff, v7;
	_ =	sdelay $0x5  }
0xb3: {  	v7, _, _ =	vpop (xrf0)  }
0xb4: {  	(v2sf) =	vpush v7, $0xF;
	_ =	sdelay $0xc  }
0xb5: {  	vm5 =	vmmov vm4;
	p0 =	slt.s32 s29, $0x0  }
0xb6: {  	vm5 =	vmneg @p0 vm5  }
0xb7: {  	s30 =	sadd.s32 $0x1, s13;
	vm5 =	vmand vm5, vm2;
	s16 =	spop (v2sf)  }
0xb8: {  	s14 =	simm.s32 @!p0 $0x0;
	v7 =	vmov s30;
	s16 =	simm.s32 @!p0 $0x0;
	p0 =	sne.s32 s30, $0x5  }
.Ltmp10:
0xb9: {  	s31 =	sadd.s32 $0x6, s13;
	vm6 =	veq.s32 v7, v0;
	v7 =	vmov s14;
	(pc) =	sbr.rel @p0 .LBB2_11-.Ltmp10, $4  }
0xba: {  	v63 =	vmov s31;
	v7 =	vnsel vm6, $0x0, v7  }
0xbb: {  	vm6 =	veq.s32 v63, v0;
	v5 =	vadd.f32 v7, v5;
	v7 =	vmov s16  }
0xbc: {  	v7 =	vnsel vm6, $0x0, v7  }
0xbd: {  	s13 =	smov.u32 s30;
	[tilespmem:v6+s10+$0x0] =	vst.idx.msk vm5, v3;
	v5 =	vadd.f32 v7, v5  }
0xbe: {  	s12 =	sadd.s32 $0x1, s12  }
0xbf: {  	p0 =	sne.s32 s12, s5  }
.Ltmp11:
0xc0: {  	[tilespmem:$0x15000] =	vst v5;
	(pc) =	sbr.rel @p0 .LBB2_2-.Ltmp11, $4  }
0xc1: {  	[hbm4b:s4+s6] =	stream.linear.scatter [tilespmem:s11], [sflag:$0x1], $0x80, $0x38;
	[tilespmem:$0x15080] =	vst v63  }
0xc2: {  	_ =	swait.ge [sflag:s7], $0x80  }
0xc3: {  	[sflag:s7] =	ssyncset.done $0x0  }
0xc4: {  	[sflag:s7] =	ssyncadd.s32 $0xFFFFFF80  }
.LBB2_17:
0xc5: {  	_ =	sfence.sel $0x180000  }
0xc6: {  	[bflag:$0x0] =	sbarrier.arrive $0xFFFF  }
0xc7: {  	p0 =	sne.s32 s0, $0x0;
	_ =	strace $0x9000004D  }
0xc8: {  	s0 =	sadd.s32 @!p0 $0x100000, s1;
	[bflag:$0x2] =	sbarrier.arrive $0xFFFF  }
0xc9: {  	[sflag:s0] =	ssyncadd.tile.s32 @!p0 $0x1;
	_ =	shalt  }
.Lfunc_end2:
_tile_overlayer_lowered:
.L_overlay_start_2:
0xca: {  	(tag) =	ssettag $0x2  }
0xcb: {  	s0 =	rddreg [dreg:$0x0];
	s2 =	stileid.u32  }
0xcc: {  	s1 =	rddreg [dreg:$0x1];
	p0 =	sne.s32 s2, $0x0  }
0xcd: {  	s3 =	rddreg [dreg:$0x2];
	[bflag:$0x3] =	sbarrier.arrive $0xFFFF;
	s2 =	simm.s32 @!p0 $0x1C01  }
0xce: {  	[timem:s3], [sflag:s2] =	dma.local @!p0 [hbm:s0], s1  }
0xcf: {  	s0 =	simm.s32 @!p0 $0x1  }
0xd0: {  	_ =	swait.ge @!p0 [sflag:s0], s1  }
0xd1: {  	s1 =	ssub.s32 @!p0 $0x0, s1;
	[sflag:s0] =	ssyncset.done @!p0 $0x0  }
0xd2: {  	[sflag:s0] =	ssyncadd.s32 @!p0 s1  }
0xd3: {  	[bflag:$0x3] =	sbarrier.arrive $0xFFFF  }
0xd4: {  	_ =	shalt  }

</sc_bundles>
